<compile_context>
chip_gen: v7x
topology: tpu7x:2x2x1
jax: 0.10.2.dev20260603
libtpu: 0.0.44.dev20260713+nightly
codegen_flags: <defaults>
</compile_context>

<pallas_src>
import functools

import jax
import jax.numpy as jnp
from jax import lax
from jax.experimental import pallas as pl
from jax.experimental.pallas import tpu as pltpu
from jax.experimental.pallas import tpu_sc as plsc

N = 10000
D = 128
E = 320000

NT = 32
CH = 128
NCHUNK = 80
EPT = CH * NCHUNK
E_PAD = EPT * NT

N_ACC = 10112
ZROWS = N_ACC // 16

NP_COL = 10240
CPT = NP_COL // 16

_mesh = plsc.VectorSubcoreMesh(core_axis_name="c", subcore_axis_name="s")


def _deg_body(dst_hbm, out_hbm, idx_v, hist_v, chunk_v, red_v, shared):
    c = lax.axis_index("c")
    s = lax.axis_index("s")
    w = c * 16 + s
    pltpu.sync_copy(dst_hbm.at[pl.ds(w * EPT, EPT)], idx_v)

    def zbody(i, _):
        hist_v[pl.ds(i * 16, 16)] = jnp.zeros((16,), jnp.float32)
        return _

    lax.fori_loop(0, NP_COL // 16, zbody, None)

    ones16 = jnp.ones((16,), jnp.float32)

    def hbody(i, _):
        idx16 = idx_v[pl.ds(i * 16, 16)]
        plsc.addupdate_scatter(hist_v, [idx16], ones16)
        return _

    lax.fori_loop(0, EPT // 16, hbody, None)

    pltpu.sync_copy(hist_v, shared.at[s])
    plsc.subcore_barrier()
    pltpu.sync_copy(shared.at[:, pl.ds(s * CPT, CPT)], chunk_v)

    def rbody(v, _):
        t = chunk_v[0, pl.ds(v * 16, 16)]
        for r in range(1, 16):
            t = t + chunk_v[r, pl.ds(v * 16, 16)]
        red_v[pl.ds(v * 16, 16)] = t
        return _

    lax.fori_loop(0, CPT // 16, rbody, None)
    pltpu.sync_copy(red_v, out_hbm.at[c, pl.ds(s * CPT, CPT)])


_deg_call = pl.kernel(
    _deg_body,
    out_type=jax.ShapeDtypeStruct((2, NP_COL), jnp.float32),
    mesh=_mesh,
    compiler_params=pltpu.CompilerParams(needs_layout_passes=False),
    scratch_types=[
        pltpu.VMEM((EPT,), jnp.int32),
        pltpu.VMEM((NP_COL,), jnp.float32),
        pltpu.VMEM((16, CPT), jnp.float32),
        pltpu.VMEM((CPT,), jnp.float32),
        pltpu.VMEM_SHARED((16, NP_COL), jnp.float32),
    ],
)


def _scatter_body(src_hbm, dst3_hbm, g_hbm, z_hbm, out_hbm,
                  srcv, dring, b0, b1, acc,
                  ss0, ss1, ds0, ds1):
    c = lax.axis_index("c")
    s = lax.axis_index("s")
    w = c * 16 + s
    bufs = [b0, b1]
    ssems = [ss0, ss1]
    dsems = [ds0, ds1]
    pltpu.sync_copy(src_hbm.at[pl.ds(w * EPT, EPT)], srcv)
    pltpu.sync_copy(z_hbm.at[pl.ds(s * ZROWS, ZROWS)],
                    acc.at[pl.ds(s * ZROWS, ZROWS)])
    plsc.subcore_barrier()

    def start_didx(ci, j):
        pltpu.async_copy(dst3_hbm.at[w, ci], dring.at[j], dsems[j])

    def wait_didx(ci, j):
        pltpu.make_async_copy(dst3_hbm.at[w, ci], dring.at[j],
                              dsems[j]).wait()

    def start_s(ci, j):
        pltpu.async_copy(bufs[j], acc.at[dring.at[j]], ssems[j], add=True)

    def wait_s(ci, j):
        pltpu.make_async_copy(bufs[j], acc.at[dring.at[j]],
                              ssems[j]).wait()

    start_didx(0, 0)
    pltpu.sync_copy(g_hbm.at[srcv.at[pl.ds(0, CH)]], bufs[0])
    wait_didx(0, 0)
    start_s(0, 0)
    start_didx(1, 1)
    pltpu.sync_copy(g_hbm.at[srcv.at[pl.ds(CH, CH)]], bufs[1])
    wait_didx(1, 1)
    start_s(1, 1)

    def slot(i, j):
        wait_s(i - 2, j)
        start_didx(i, j)
        pltpu.sync_copy(g_hbm.at[srcv.at[pl.ds(i * CH, CH)]], bufs[j])
        wait_didx(i, j)
        start_s(i, j)

    def pair(k, _):
        slot(2 * k + 2, 0)
        slot(2 * k + 3, 1)
        return _

    lax.fori_loop(0, (NCHUNK - 2) // 2, pair, None)

    wait_s(NCHUNK - 2, 0)
    wait_s(NCHUNK - 1, 1)

    plsc.subcore_barrier()
    pltpu.sync_copy(acc.at[pl.ds(s * ZROWS, ZROWS)],
                    out_hbm.at[c, pl.ds(s * ZROWS, ZROWS)])


_scatter_call = pl.kernel(
    _scatter_body,
    out_type=jax.ShapeDtypeStruct((2, N_ACC, D), jnp.float32),
    mesh=_mesh,
    compiler_params=pltpu.CompilerParams(needs_layout_passes=False),
    scratch_types=[
        pltpu.VMEM((EPT,), jnp.int32),
        pltpu.VMEM((2, CH), jnp.int32),
        pltpu.VMEM((CH, D), jnp.float32),
        pltpu.VMEM((CH, D), jnp.float32),
        pltpu.VMEM_SHARED((N_ACC, D), jnp.float32),
        pltpu.SemaphoreType.DMA,
        pltpu.SemaphoreType.DMA,
        pltpu.SemaphoreType.DMA,
        pltpu.SemaphoreType.DMA,
    ],
)


def _tca_body(x_ref, w_ref, deg_ref, g_ref):
    dg = deg_ref[0] + deg_ref[1] + 1.0
    dinv = lax.rsqrt(dg)
    h = jnp.dot(x_ref[...], w_ref[...], preferred_element_type=jnp.float32)
    g_ref[...] = h * dinv


def _tcb_body(acc_ref, g_ref, deg_ref, b_ref, o_ref):
    dg = deg_ref[0] + deg_ref[1] + 1.0
    dinv = lax.rsqrt(dg)
    ssum = acc_ref[0] + acc_ref[1] + g_ref[...]
    o_ref[...] = jax.nn.gelu(dinv * ssum + b_ref[...])


_RB = 1000


def _tc_a(x, W, deg2):
    return pl.pallas_call(
        _tca_body,
        grid=(N // _RB,),
        in_specs=[
            pl.BlockSpec((_RB, D), lambda i: (i, 0)),
            pl.BlockSpec((D, D), lambda i: (0, 0)),
            pl.BlockSpec((2, _RB, 1), lambda i: (0, i, 0)),
        ],
        out_specs=pl.BlockSpec((_RB, D), lambda i: (i, 0)),
        out_shape=jax.ShapeDtypeStruct((N, D), jnp.float32),
    )(x, W, deg2)


def _tc_b(accs, g, deg2, b2):
    return pl.pallas_call(
        _tcb_body,
        grid=(N // _RB,),
        in_specs=[
            pl.BlockSpec((2, _RB, D), lambda i: (0, i, 0)),
            pl.BlockSpec((_RB, D), lambda i: (i, 0)),
            pl.BlockSpec((2, _RB, 1), lambda i: (0, i, 0)),
            pl.BlockSpec((1, D), lambda i: (0, 0)),
        ],
        out_specs=pl.BlockSpec((_RB, D), lambda i: (i, 0)),
        out_shape=jax.ShapeDtypeStruct((N, D), jnp.float32),
    )(accs, g, deg2, b2)


@jax.jit
def kernel(x, edge_index, W, b):
    src = edge_index[0]
    dst = edge_index[1]
    ppt = EPT - E // NT
    pad_src = jnp.zeros((NT, ppt), jnp.int32)
    pad_dst = jnp.broadcast_to(
        N + (jnp.arange(ppt, dtype=jnp.int32) % (N_ACC - N)), (NT, ppt))
    src_pad = jnp.concatenate(
        [src.reshape(NT, E // NT), pad_src], axis=1).reshape(-1)
    dst3 = jnp.concatenate(
        [dst.reshape(NT, E // NT), pad_dst], axis=1).reshape(NT, NCHUNK, CH)

    deg_out = _deg_call(dst3.reshape(-1))
    deg2 = deg_out[:, :N].reshape(2, N, 1)

    g = _tc_a(x, W, deg2)

    z = jnp.zeros((N_ACC, D), jnp.float32)
    accs = _scatter_call(src_pad, dst3, g, z)

    return _tc_b(accs, g, deg2, b.reshape(1, D))

# --- scband reference (transcript-rebuilt; emitter-appended) ---
"""Pipeline reference for scband-gnnlayer-wrapper-5660766896601 (READ-ONLY COPY).

The authoritative reference and input builder live on the scoring server;
editing this copy changes nothing except your own understanding.
"""

import jax, jax.numpy as jnp
import numpy as np

N = 10000
D_IN = 128
D_OUT = 128
E = 320000


def setup_inputs(seed: int = 0) -> dict:
    key = jax.random.key(seed)
    k1, k2, k3 = jax.random.split(key, 3)
    x = jax.random.normal(k1, (N, D_IN), dtype=jnp.float32)
    edge_index = jax.random.randint(k2, (2, E), 0, N, dtype=jnp.int32)
    W = jax.random.normal(k3, (D_IN, D_OUT), dtype=jnp.float32) / np.sqrt(D_IN)
    b = jnp.zeros((D_OUT,), dtype=jnp.float32)
    return {"x": x, "edge_index": edge_index, "W": W, "b": b}


def _gcn_forward(x, edge_index, W, b):
    # GCNConv with symmetric normalization + self loops, wrapped with GELU act
    src = edge_index[0]
    dst = edge_index[1]
    loop = jnp.arange(N, dtype=src.dtype)
    src_a = jnp.concatenate([src, loop])
    dst_a = jnp.concatenate([dst, loop])
    h = x @ W  # [N, D_OUT]
    deg = jnp.zeros((N,), dtype=h.dtype).at[dst_a].add(1.0)
    dinv = jax.lax.rsqrt(jnp.maximum(deg, 1.0))
    norm = dinv[src_a] * dinv[dst_a]  # [E+N]
    msg = jnp.take(h, src_a, axis=0) * norm[:, None]  # gather
    out = jax.ops.segment_sum(msg, dst_a, num_segments=N)  # scatter-add
    out = out + b
    return jax.nn.gelu(out)


def reference(x, edge_index, W, b):
    return _gcn_forward(x, edge_index, W, b)

if __name__ == "__main__":
    import jax
    _d = setup_inputs()
    print(jax.jit(kernel)(*tuple(_d.values())))

</pallas_src>

<mosaic_0001>
#map = affine_map<(d0, d1) -> (0)>
#map1 = affine_map<(d0, d1) -> (0, 0, 0)>
#map2 = affine_map<(d0, d1) -> (0, 0)>
module attributes {stable_mosaic.version = 14 : i64} {
  func.func @_scatter_body(%arg0: i32, %arg1: i32, %arg2: memref<327680xi32, #tpu.memory_space<hbm>>, %arg3: memref<32x80x128xi32, #tpu.memory_space<hbm>>, %arg4: memref<10000x128xf32, #tpu.memory_space<hbm>>, %arg5: memref<10112x128xf32, #tpu.memory_space<hbm>>, %arg6: memref<2x10112x128xf32, #tpu.memory_space<hbm>>, %arg7: memref<10240xi32, #tpu.memory_space<vmem>>, %arg8: memref<2x128xi32, #tpu.memory_space<vmem>>, %arg9: memref<128x128xf32, #tpu.memory_space<vmem>>, %arg10: memref<128x128xf32, #tpu.memory_space<vmem>>, %arg11: memref<10112x128xf32, #tpu.memory_space<vmem_shared>>, %arg12: memref<!tpu.dma_semaphore, #tpu.memory_space<semaphore_mem>>, %arg13: memref<!tpu.dma_semaphore, #tpu.memory_space<semaphore_mem>>, %arg14: memref<!tpu.dma_semaphore, #tpu.memory_space<semaphore_mem>>, %arg15: memref<!tpu.dma_semaphore, #tpu.memory_space<semaphore_mem>>) attributes {dimension_semantics = [#tpu.dimension_semantics<core_parallel>, #tpu.dimension_semantics<subcore_parallel>], iteration_bounds = array<i64: 2, 16>, scalar_prefetch = 0 : i64, scratch_operands = 9 : i64, tpu.core_type = #tpu.core_type<sc_vector_subcore>, window_params = [{transform_indices = #map}, {transform_indices = #map1}, {transform_indices = #map2}, {transform_indices = #map2}, {transform_indices = #map1}]} {
    %mul3A = arith.constant 16 : i32
    %mul3A_0 = arith.muli %arg0, %mul3A : i32
    %add3A = arith.addi %mul3A_0, %arg1 : i32
    %mul3A_1 = arith.constant 10240 : i32
    %mul3A_2 = arith.muli %add3A, %mul3A_1 : i32
    "tpu.region"() ({
      %run_scoped3A = tpu.sem_alloc : memref<!tpu.dma_semaphore, #tpu.memory_space<semaphore_mem>>
      %dma_start3A_98 = tpu.memref_slice %arg2[%mul3A_2] : memref<327680xi32, #tpu.memory_space<hbm>> -> memref<10240xi32, #tpu.memory_space<hbm>>
      %dma_start3A_99 = tpu.memref_slice %arg2[%mul3A_2] : memref<327680xi32, #tpu.memory_space<hbm>> -> memref<10240xi32, #tpu.memory_space<hbm>>
      tpu.enqueue_dma source(%dma_start3A_99 : memref<10240xi32, #tpu.memory_space<hbm>>) target(%arg7 : memref<10240xi32, #tpu.memory_space<vmem>>) target_semaphore(%run_scoped3A : memref<!tpu.dma_semaphore, #tpu.memory_space<semaphore_mem>>)
      %dma_wait3A_100 = tpu.memref_slice %arg2[%mul3A_2] : memref<327680xi32, #tpu.memory_space<hbm>> -> memref<10240xi32, #tpu.memory_space<hbm>>
      %dma_wait3A_101 = tpu.memref_slice %arg2[%mul3A_2] : memref<327680xi32, #tpu.memory_space<hbm>> -> memref<10240xi32, #tpu.memory_space<hbm>>
      tpu.wait_dma2 semaphore(%run_scoped3A : memref<!tpu.dma_semaphore, #tpu.memory_space<semaphore_mem>>) src(%dma_wait3A_101 : memref<10240xi32, #tpu.memory_space<hbm>>) dst(%arg7 : memref<10240xi32, #tpu.memory_space<vmem>>)
      tpu.yield
    }) : () -> ()
    %mul3A_3 = arith.constant 632 : i32
    %mul3A_4 = arith.muli %arg1, %mul3A_3 : i32
    %mul3A_5 = arith.constant 632 : i32
    %mul3A_6 = arith.muli %arg1, %mul3A_5 : i32
    "tpu.region"() ({
      %run_scoped3A = tpu.sem_alloc : memref<!tpu.dma_semaphore, #tpu.memory_space<semaphore_mem>>
      %dma_start3A_98 = arith.constant 0 : i32
      %dma_start3A_99 = tpu.memref_slice %arg11[%mul3A_6, %dma_start3A_98] : memref<10112x128xf32, #tpu.memory_space<vmem_shared>> -> memref<632x128xf32, #tpu.memory_space<vmem_shared>>
      %dma_start3A_100 = arith.constant 0 : i32
      %dma_start3A_101 = tpu.memref_slice %arg5[%mul3A_4, %dma_start3A_100] : memref<10112x128xf32, #tpu.memory_space<hbm>> -> memref<632x128xf32, #tpu.memory_space<hbm>>
      tpu.enqueue_dma source(%dma_start3A_101 : memref<632x128xf32, #tpu.memory_space<hbm>>) target(%dma_start3A_99 : memref<632x128xf32, #tpu.memory_space<vmem_shared>>) target_semaphore(%run_scoped3A : memref<!tpu.dma_semaphore, #tpu.memory_space<semaphore_mem>>)
      %dma_wait3A_102 = arith.constant 0 : i32
      %dma_wait3A_103 = tpu.memref_slice %arg11[%mul3A_6, %dma_wait3A_102] : memref<10112x128xf32, #tpu.memory_space<vmem_shared>> -> memref<632x128xf32, #tpu.memory_space<vmem_shared>>
      %dma_wait3A_104 = arith.constant 0 : i32
      %dma_wait3A_105 = tpu.memref_slice %arg5[%mul3A_4, %dma_wait3A_104] : memref<10112x128xf32, #tpu.memory_space<hbm>> -> memref<632x128xf32, #tpu.memory_space<hbm>>
      tpu.wait_dma2 semaphore(%run_scoped3A : memref<!tpu.dma_semaphore, #tpu.memory_space<semaphore_mem>>) src(%dma_wait3A_105 : memref<632x128xf32, #tpu.memory_space<hbm>>) dst(%dma_wait3A_103 : memref<632x128xf32, #tpu.memory_space<vmem_shared>>)
      tpu.yield
    }) : () -> ()
    %barrier3A = arith.constant 0 : index
    tpu.barrier barrier_id(%barrier3A)
    %dma_start3A = arith.constant 0 : i32
    %dma_start3A_7 = arith.constant 0 : i32
    %dma_start3A_8 = arith.constant 0 : i32
    %dma_start3A_9 = tpu.memref_slice %arg8[%dma_start3A_7, %dma_start3A_8] : memref<2x128xi32, #tpu.memory_space<vmem>> -> memref<1x128xi32, #tpu.memory_space<vmem>>
    %dma_start3A_10 = tpu.memref_squeeze %dma_start3A_9 : memref<1x128xi32, #tpu.memory_space<vmem>> -> memref<128xi32, #tpu.memory_space<vmem>>
    %dma_start3A_11 = arith.constant 0 : i32
    %dma_start3A_12 = tpu.memref_slice %arg3[%add3A, %dma_start3A, %dma_start3A_11] : memref<32x80x128xi32, #tpu.memory_space<hbm>> -> memref<1x1x128xi32, #tpu.memory_space<hbm>>
    %dma_start3A_13 = tpu.memref_squeeze %dma_start3A_12 : memref<1x1x128xi32, #tpu.memory_space<hbm>> -> memref<128xi32, #tpu.memory_space<hbm>>
    %dma_start3A_14 = arith.constant 0 : i32
    %dma_start3A_15 = tpu.memref_slice %arg8[%dma_start3A_7, %dma_start3A_14] : memref<2x128xi32, #tpu.memory_space<vmem>> -> memref<1x128xi32, #tpu.memory_space<vmem>>
    %dma_start3A_16 = tpu.memref_squeeze %dma_start3A_15 : memref<1x128xi32, #tpu.memory_space<vmem>> -> memref<128xi32, #tpu.memory_space<vmem>>
    %dma_start3A_17 = arith.constant 0 : i32
    %dma_start3A_18 = tpu.memref_slice %arg3[%add3A, %dma_start3A, %dma_start3A_17] : memref<32x80x128xi32, #tpu.memory_space<hbm>> -> memref<1x1x128xi32, #tpu.memory_space<hbm>>
    %dma_start3A_19 = tpu.memref_squeeze %dma_start3A_18 : memref<1x1x128xi32, #tpu.memory_space<hbm>> -> memref<128xi32, #tpu.memory_space<hbm>>
    tpu.enqueue_dma source(%dma_start3A_19 : memref<128xi32, #tpu.memory_space<hbm>>) target(%dma_start3A_16 : memref<128xi32, #tpu.memory_space<vmem>>) target_semaphore(%arg14 : memref<!tpu.dma_semaphore, #tpu.memory_space<semaphore_mem>>)
    "tpu.region"() ({
      %run_scoped3A = tpu.sem_alloc : memref<!tpu.dma_semaphore, #tpu.memory_space<semaphore_mem>>
      %dma_start3A_98 = arith.constant 0 : i32
      %dma_start3A_99 = tpu.memref_slice %arg7[%dma_start3A_98] : memref<10240xi32, #tpu.memory_space<vmem>> -> memref<128xi32, #tpu.memory_space<vmem>>
      %dma_start3A_100 = arith.constant 0 : i32
      %dma_start3A_101 = arith.constant 0 : i32
      %dma_start3A_102 = tpu.memref_slice %arg4[%dma_start3A_100, %dma_start3A_101] : memref<10000x128xf32, #tpu.memory_space<hbm>> -> memref<10000x128xf32, #tpu.memory_space<hbm>>
      tpu.enqueue_indirect_dma source(%dma_start3A_102 : memref<10000x128xf32, #tpu.memory_space<hbm>>) target(%arg9 : memref<128x128xf32, #tpu.memory_space<vmem>>) offsets(%dma_start3A_99 : memref<128xi32, #tpu.memory_space<vmem>>) semaphore(%run_scoped3A : memref<!tpu.dma_semaphore, #tpu.memory_space<semaphore_mem>>)
      %dma_wait3A_103 = arith.constant 0 : i32
      %dma_wait3A_104 = tpu.memref_slice %arg7[%dma_wait3A_103] : memref<10240xi32, #tpu.memory_space<vmem>> -> memref<128xi32, #tpu.memory_space<vmem>>
      %dma_wait3A_105 = arith.constant 0 : i32
      %dma_wait3A_106 = arith.constant 0 : i32
      %dma_wait3A_107 = tpu.memref_slice %arg4[%dma_wait3A_105, %dma_wait3A_106] : memref<10000x128xf32, #tpu.memory_space<hbm>> -> memref<10000x128xf32, #tpu.memory_space<hbm>>
      tpu.wait_indirect_dma semaphore(%run_scoped3A : memref<!tpu.dma_semaphore, #tpu.memory_space<semaphore_mem>>) src(%dma_wait3A_107 : memref<10000x128xf32, #tpu.memory_space<hbm>>) dst(%arg9 : memref<128x128xf32, #tpu.memory_space<vmem>>)
      tpu.yield
    }) : () -> ()
    %dma_wait3A = arith.constant 0 : i32
    %dma_wait3A_20 = arith.constant 0 : i32
    %dma_wait3A_21 = arith.constant 0 : i32
    %dma_wait3A_22 = tpu.memref_slice %arg8[%dma_wait3A_20, %dma_wait3A_21] : memref<2x128xi32, #tpu.memory_space<vmem>> -> memref<1x128xi32, #tpu.memory_space<vmem>>
    %dma_wait3A_23 = tpu.memref_squeeze %dma_wait3A_22 : memref<1x128xi32, #tpu.memory_space<vmem>> -> memref<128xi32, #tpu.memory_space<vmem>>
    %dma_wait3A_24 = arith.constant 0 : i32
    %dma_wait3A_25 = tpu.memref_slice %arg3[%add3A, %dma_wait3A, %dma_wait3A_24] : memref<32x80x128xi32, #tpu.memory_space<hbm>> -> memref<1x1x128xi32, #tpu.memory_space<hbm>>
    %dma_wait3A_26 = tpu.memref_squeeze %dma_wait3A_25 : memref<1x1x128xi32, #tpu.memory_space<hbm>> -> memref<128xi32, #tpu.memory_space<hbm>>
    %dma_wait3A_27 = arith.constant 0 : i32
    %dma_wait3A_28 = tpu.memref_slice %arg8[%dma_wait3A_20, %dma_wait3A_27] : memref<2x128xi32, #tpu.memory_space<vmem>> -> memref<1x128xi32, #tpu.memory_space<vmem>>
    %dma_wait3A_29 = tpu.memref_squeeze %dma_wait3A_28 : memref<1x128xi32, #tpu.memory_space<vmem>> -> memref<128xi32, #tpu.memory_space<vmem>>
    %dma_wait3A_30 = arith.constant 0 : i32
    %dma_wait3A_31 = tpu.memref_slice %arg3[%add3A, %dma_wait3A, %dma_wait3A_30] : memref<32x80x128xi32, #tpu.memory_space<hbm>> -> memref<1x1x128xi32, #tpu.memory_space<hbm>>
    %dma_wait3A_32 = tpu.memref_squeeze %dma_wait3A_31 : memref<1x1x128xi32, #tpu.memory_space<hbm>> -> memref<128xi32, #tpu.memory_space<hbm>>
    tpu.wait_dma2 semaphore(%arg14 : memref<!tpu.dma_semaphore, #tpu.memory_space<semaphore_mem>>) src(%dma_wait3A_32 : memref<128xi32, #tpu.memory_space<hbm>>) dst(%dma_wait3A_29 : memref<128xi32, #tpu.memory_space<vmem>>)
    %dma_start3A_33 = arith.constant 0 : i32
    %dma_start3A_34 = arith.constant 0 : i32
    %dma_start3A_35 = tpu.memref_slice %arg8[%dma_start3A_33, %dma_start3A_34] : memref<2x128xi32, #tpu.memory_space<vmem>> -> memref<1x128xi32, #tpu.memory_space<vmem>>
    %dma_start3A_36 = tpu.memref_squeeze %dma_start3A_35 : memref<1x128xi32, #tpu.memory_space<vmem>> -> memref<128xi32, #tpu.memory_space<vmem>>
    %dma_start3A_37 = arith.constant 0 : i32
    %dma_start3A_38 = arith.constant 0 : i32
    %dma_start3A_39 = tpu.memref_slice %arg11[%dma_start3A_37, %dma_start3A_38] : memref<10112x128xf32, #tpu.memory_space<vmem_shared>> -> memref<10112x128xf32, #tpu.memory_space<vmem_shared>>
    tpu.enqueue_indirect_dma source(%arg9 : memref<128x128xf32, #tpu.memory_space<vmem>>) target(%dma_start3A_39 : memref<10112x128xf32, #tpu.memory_space<vmem_shared>>) offsets(%dma_start3A_36 : memref<128xi32, #tpu.memory_space<vmem>>) semaphore(%arg12 : memref<!tpu.dma_semaphore, #tpu.memory_space<semaphore_mem>>) {add = true}
    %dma_start3A_40 = arith.constant 1 : i32
    %dma_start3A_41 = arith.constant 1 : i32
    %dma_start3A_42 = arith.constant 0 : i32
    %dma_start3A_43 = tpu.memref_slice %arg8[%dma_start3A_41, %dma_start3A_42] : memref<2x128xi32, #tpu.memory_space<vmem>> -> memref<1x128xi32, #tpu.memory_space<vmem>>
    %dma_start3A_44 = tpu.memref_squeeze %dma_start3A_43 : memref<1x128xi32, #tpu.memory_space<vmem>> -> memref<128xi32, #tpu.memory_space<vmem>>
    %dma_start3A_45 = arith.constant 0 : i32
    %dma_start3A_46 = tpu.memref_slice %arg3[%add3A, %dma_start3A_40, %dma_start3A_45] : memref<32x80x128xi32, #tpu.memory_space<hbm>> -> memref<1x1x128xi32, #tpu.memory_space<hbm>>
    %dma_start3A_47 = tpu.memref_squeeze %dma_start3A_46 : memref<1x1x128xi32, #tpu.memory_space<hbm>> -> memref<128xi32, #tpu.memory_space<hbm>>
    %dma_start3A_48 = arith.constant 0 : i32
    %dma_start3A_49 = tpu.memref_slice %arg8[%dma_start3A_41, %dma_start3A_48] : memref<2x128xi32, #tpu.memory_space<vmem>> -> memref<1x128xi32, #tpu.memory_space<vmem>>
    %dma_start3A_50 = tpu.memref_squeeze %dma_start3A_49 : memref<1x128xi32, #tpu.memory_space<vmem>> -> memref<128xi32, #tpu.memory_space<vmem>>
    %dma_start3A_51 = arith.constant 0 : i32
    %dma_start3A_52 = tpu.memref_slice %arg3[%add3A, %dma_start3A_40, %dma_start3A_51] : memref<32x80x128xi32, #tpu.memory_space<hbm>> -> memref<1x1x128xi32, #tpu.memory_space<hbm>>
    %dma_start3A_53 = tpu.memref_squeeze %dma_start3A_52 : memref<1x1x128xi32, #tpu.memory_space<hbm>> -> memref<128xi32, #tpu.memory_space<hbm>>
    tpu.enqueue_dma source(%dma_start3A_53 : memref<128xi32, #tpu.memory_space<hbm>>) target(%dma_start3A_50 : memref<128xi32, #tpu.memory_space<vmem>>) target_semaphore(%arg15 : memref<!tpu.dma_semaphore, #tpu.memory_space<semaphore_mem>>)
    "tpu.region"() ({
      %run_scoped3A = tpu.sem_alloc : memref<!tpu.dma_semaphore, #tpu.memory_space<semaphore_mem>>
      %dma_start3A_98 = arith.constant 128 : i32
      %dma_start3A_99 = tpu.memref_slice %arg7[%dma_start3A_98] : memref<10240xi32, #tpu.memory_space<vmem>> -> memref<128xi32, #tpu.memory_space<vmem>>
      %dma_start3A_100 = arith.constant 0 : i32
      %dma_start3A_101 = arith.constant 0 : i32
      %dma_start3A_102 = tpu.memref_slice %arg4[%dma_start3A_100, %dma_start3A_101] : memref<10000x128xf32, #tpu.memory_space<hbm>> -> memref<10000x128xf32, #tpu.memory_space<hbm>>
      tpu.enqueue_indirect_dma source(%dma_start3A_102 : memref<10000x128xf32, #tpu.memory_space<hbm>>) target(%arg10 : memref<128x128xf32, #tpu.memory_space<vmem>>) offsets(%dma_start3A_99 : memref<128xi32, #tpu.memory_space<vmem>>) semaphore(%run_scoped3A : memref<!tpu.dma_semaphore, #tpu.memory_space<semaphore_mem>>)
      %dma_wait3A_103 = arith.constant 128 : i32
      %dma_wait3A_104 = tpu.memref_slice %arg7[%dma_wait3A_103] : memref<10240xi32, #tpu.memory_space<vmem>> -> memref<128xi32, #tpu.memory_space<vmem>>
      %dma_wait3A_105 = arith.constant 0 : i32
      %dma_wait3A_106 = arith.constant 0 : i32
      %dma_wait3A_107 = tpu.memref_slice %arg4[%dma_wait3A_105, %dma_wait3A_106] : memref<10000x128xf32, #tpu.memory_space<hbm>> -> memref<10000x128xf32, #tpu.memory_space<hbm>>
      tpu.wait_indirect_dma semaphore(%run_scoped3A : memref<!tpu.dma_semaphore, #tpu.memory_space<semaphore_mem>>) src(%dma_wait3A_107 : memref<10000x128xf32, #tpu.memory_space<hbm>>) dst(%arg10 : memref<128x128xf32, #tpu.memory_space<vmem>>)
      tpu.yield
    }) : () -> ()
    %dma_wait3A_54 = arith.constant 1 : i32
    %dma_wait3A_55 = arith.constant 1 : i32
    %dma_wait3A_56 = arith.constant 0 : i32
    %dma_wait3A_57 = tpu.memref_slice %arg8[%dma_wait3A_55, %dma_wait3A_56] : memref<2x128xi32, #tpu.memory_space<vmem>> -> memref<1x128xi32, #tpu.memory_space<vmem>>
    %dma_wait3A_58 = tpu.memref_squeeze %dma_wait3A_57 : memref<1x128xi32, #tpu.memory_space<vmem>> -> memref<128xi32, #tpu.memory_space<vmem>>
    %dma_wait3A_59 = arith.constant 0 : i32
    %dma_wait3A_60 = tpu.memref_slice %arg3[%add3A, %dma_wait3A_54, %dma_wait3A_59] : memref<32x80x128xi32, #tpu.memory_space<hbm>> -> memref<1x1x128xi32, #tpu.memory_space<hbm>>
    %dma_wait3A_61 = tpu.memref_squeeze %dma_wait3A_60 : memref<1x1x128xi32, #tpu.memory_space<hbm>> -> memref<128xi32, #tpu.memory_space<hbm>>
    %dma_wait3A_62 = arith.constant 0 : i32
    %dma_wait3A_63 = tpu.memref_slice %arg8[%dma_wait3A_55, %dma_wait3A_62] : memref<2x128xi32, #tpu.memory_space<vmem>> -> memref<1x128xi32, #tpu.memory_space<vmem>>
    %dma_wait3A_64 = tpu.memref_squeeze %dma_wait3A_63 : memref<1x128xi32, #tpu.memory_space<vmem>> -> memref<128xi32, #tpu.memory_space<vmem>>
    %dma_wait3A_65 = arith.constant 0 : i32
    %dma_wait3A_66 = tpu.memref_slice %arg3[%add3A, %dma_wait3A_54, %dma_wait3A_65] : memref<32x80x128xi32, #tpu.memory_space<hbm>> -> memref<1x1x128xi32, #tpu.memory_space<hbm>>
    %dma_wait3A_67 = tpu.memref_squeeze %dma_wait3A_66 : memref<1x1x128xi32, #tpu.memory_space<hbm>> -> memref<128xi32, #tpu.memory_space<hbm>>
    tpu.wait_dma2 semaphore(%arg15 : memref<!tpu.dma_semaphore, #tpu.memory_space<semaphore_mem>>) src(%dma_wait3A_67 : memref<128xi32, #tpu.memory_space<hbm>>) dst(%dma_wait3A_64 : memref<128xi32, #tpu.memory_space<vmem>>)
    %dma_start3A_68 = arith.constant 1 : i32
    %dma_start3A_69 = arith.constant 0 : i32
    %dma_start3A_70 = tpu.memref_slice %arg8[%dma_start3A_68, %dma_start3A_69] : memref<2x128xi32, #tpu.memory_space<vmem>> -> memref<1x128xi32, #tpu.memory_space<vmem>>
    %dma_start3A_71 = tpu.memref_squeeze %dma_start3A_70 : memref<1x128xi32, #tpu.memory_space<vmem>> -> memref<128xi32, #tpu.memory_space<vmem>>
    %dma_start3A_72 = arith.constant 0 : i32
    %dma_start3A_73 = arith.constant 0 : i32
    %dma_start3A_74 = tpu.memref_slice %arg11[%dma_start3A_72, %dma_start3A_73] : memref<10112x128xf32, #tpu.memory_space<vmem_shared>> -> memref<10112x128xf32, #tpu.memory_space<vmem_shared>>
    tpu.enqueue_indirect_dma source(%arg10 : memref<128x128xf32, #tpu.memory_space<vmem>>) target(%dma_start3A_74 : memref<10112x128xf32, #tpu.memory_space<vmem_shared>>) offsets(%dma_start3A_71 : memref<128xi32, #tpu.memory_space<vmem>>) semaphore(%arg13 : memref<!tpu.dma_semaphore, #tpu.memory_space<semaphore_mem>>) {add = true}
    %scan3A = arith.constant 0 : i32
    %scan3A_75 = arith.constant 39 : i32
    %scan3A_76 = arith.addi %scan3A, %scan3A_75 : i32
    %scan3A_77 = arith.constant 1 : i32
    scf.for %scan3A_98 = %scan3A to %scan3A_76 step %scan3A_77  : i32 {
      %mul3A_99 = arith.constant 2 : i32
      %mul3A_100 = arith.muli %mul3A_99, %scan3A_98 : i32
      %add3A_101 = arith.constant 2 : i32
      %add3A_102 = arith.addi %mul3A_100, %add3A_101 : i32
      %sub3A = arith.constant 2 : i32
      %sub3A_103 = arith.subi %add3A_102, %sub3A : i32
      %dma_wait3A_104 = arith.constant 0 : i32
      %dma_wait3A_105 = arith.constant 0 : i32
      %dma_wait3A_106 = tpu.memref_slice %arg8[%dma_wait3A_104, %dma_wait3A_105] : memref<2x128xi32, #tpu.memory_space<vmem>> -> memref<1x128xi32, #tpu.memory_space<vmem>>
      %dma_wait3A_107 = tpu.memref_squeeze %dma_wait3A_106 : memref<1x128xi32, #tpu.memory_space<vmem>> -> memref<128xi32, #tpu.memory_space<vmem>>
      %dma_wait3A_108 = arith.constant 0 : i32
      %dma_wait3A_109 = arith.constant 0 : i32
      %dma_wait3A_110 = tpu.memref_slice %arg11[%dma_wait3A_108, %dma_wait3A_109] : memref<10112x128xf32, #tpu.memory_space<vmem_shared>> -> memref<10112x128xf32, #tpu.memory_space<vmem_shared>>
      tpu.wait_indirect_dma semaphore(%arg12 : memref<!tpu.dma_semaphore, #tpu.memory_space<semaphore_mem>>) src(%arg9 : memref<128x128xf32, #tpu.memory_space<vmem>>) dst(%dma_wait3A_110 : memref<10112x128xf32, #tpu.memory_space<vmem_shared>>)
      %dma_start3A_111 = arith.constant 0 : i32
      %dma_start3A_112 = arith.constant 0 : i32
      %dma_start3A_113 = tpu.memref_slice %arg8[%dma_start3A_111, %dma_start3A_112] : memref<2x128xi32, #tpu.memory_space<vmem>> -> memref<1x128xi32, #tpu.memory_space<vmem>>
      %dma_start3A_114 = tpu.memref_squeeze %dma_start3A_113 : memref<1x128xi32, #tpu.memory_space<vmem>> -> memref<128xi32, #tpu.memory_space<vmem>>
      %dma_start3A_115 = arith.constant 0 : i32
      %dma_start3A_116 = tpu.memref_slice %arg3[%add3A, %add3A_102, %dma_start3A_115] : memref<32x80x128xi32, #tpu.memory_space<hbm>> -> memref<1x1x128xi32, #tpu.memory_space<hbm>>
      %dma_start3A_117 = tpu.memref_squeeze %dma_start3A_116 : memref<1x1x128xi32, #tpu.memory_space<hbm>> -> memref<128xi32, #tpu.memory_space<hbm>>
      %dma_start3A_118 = arith.constant 0 : i32
      %dma_start3A_119 = tpu.memref_slice %arg8[%dma_start3A_111, %dma_start3A_118] : memref<2x128xi32, #tpu.memory_space<vmem>> -> memref<1x128xi32, #tpu.memory_space<vmem>>
      %dma_start3A_120 = tpu.memref_squeeze %dma_start3A_119 : memref<1x128xi32, #tpu.memory_space<vmem>> -> memref<128xi32, #tpu.memory_space<vmem>>
      %dma_start3A_121 = arith.constant 0 : i32
      %dma_start3A_122 = tpu.memref_slice %arg3[%add3A, %add3A_102, %dma_start3A_121] : memref<32x80x128xi32, #tpu.memory_space<hbm>> -> memref<1x1x128xi32, #tpu.memory_space<hbm>>
      %dma_start3A_123 = tpu.memref_squeeze %dma_start3A_122 : memref<1x1x128xi32, #tpu.memory_space<hbm>> -> memref<128xi32, #tpu.memory_space<hbm>>
      tpu.enqueue_dma source(%dma_start3A_123 : memref<128xi32, #tpu.memory_space<hbm>>) target(%dma_start3A_120 : memref<128xi32, #tpu.memory_space<vmem>>) target_semaphore(%arg14 : memref<!tpu.dma_semaphore, #tpu.memory_space<semaphore_mem>>)
      %mul3A_124 = arith.constant 128 : i32
      %mul3A_125 = arith.muli %add3A_102, %mul3A_124 : i32
      "tpu.region"() ({
        %run_scoped3A = tpu.sem_alloc : memref<!tpu.dma_semaphore, #tpu.memory_space<semaphore_mem>>
        %dma_start3A_194 = tpu.memref_slice %arg7[%mul3A_125] : memref<10240xi32, #tpu.memory_space<vmem>> -> memref<128xi32, #tpu.memory_space<vmem>>
        %dma_start3A_195 = arith.constant 0 : i32
        %dma_start3A_196 = arith.constant 0 : i32
        %dma_start3A_197 = tpu.memref_slice %arg4[%dma_start3A_195, %dma_start3A_196] : memref<10000x128xf32, #tpu.memory_space<hbm>> -> memref<10000x128xf32, #tpu.memory_space<hbm>>
        tpu.enqueue_indirect_dma source(%dma_start3A_197 : memref<10000x128xf32, #tpu.memory_space<hbm>>) target(%arg9 : memref<128x128xf32, #tpu.memory_space<vmem>>) offsets(%dma_start3A_194 : memref<128xi32, #tpu.memory_space<vmem>>) semaphore(%run_scoped3A : memref<!tpu.dma_semaphore, #tpu.memory_space<semaphore_mem>>)
        %dma_wait3A_198 = tpu.memref_slice %arg7[%mul3A_125] : memref<10240xi32, #tpu.memory_space<vmem>> -> memref<128xi32, #tpu.memory_space<vmem>>
        %dma_wait3A_199 = arith.constant 0 : i32
        %dma_wait3A_200 = arith.constant 0 : i32
        %dma_wait3A_201 = tpu.memref_slice %arg4[%dma_wait3A_199, %dma_wait3A_200] : memref<10000x128xf32, #tpu.memory_space<hbm>> -> memref<10000x128xf32, #tpu.memory_space<hbm>>
        tpu.wait_indirect_dma semaphore(%run_scoped3A : memref<!tpu.dma_semaphore, #tpu.memory_space<semaphore_mem>>) src(%dma_wait3A_201 : memref<10000x128xf32, #tpu.memory_space<hbm>>) dst(%arg9 : memref<128x128xf32, #tpu.memory_space<vmem>>)
        tpu.yield
      }) : () -> ()
      %dma_wait3A_126 = arith.constant 0 : i32
      %dma_wait3A_127 = arith.constant 0 : i32
      %dma_wait3A_128 = tpu.memref_slice %arg8[%dma_wait3A_126, %dma_wait3A_127] : memref<2x128xi32, #tpu.memory_space<vmem>> -> memref<1x128xi32, #tpu.memory_space<vmem>>
      %dma_wait3A_129 = tpu.memref_squeeze %dma_wait3A_128 : memref<1x128xi32, #tpu.memory_space<vmem>> -> memref<128xi32, #tpu.memory_space<vmem>>
      %dma_wait3A_130 = arith.constant 0 : i32
      %dma_wait3A_131 = tpu.memref_slice %arg3[%add3A, %add3A_102, %dma_wait3A_130] : memref<32x80x128xi32, #tpu.memory_space<hbm>> -> memref<1x1x128xi32, #tpu.memory_space<hbm>>
      %dma_wait3A_132 = tpu.memref_squeeze %dma_wait3A_131 : memref<1x1x128xi32, #tpu.memory_space<hbm>> -> memref<128xi32, #tpu.memory_space<hbm>>
      %dma_wait3A_133 = arith.constant 0 : i32
      %dma_wait3A_134 = tpu.memref_slice %arg8[%dma_wait3A_126, %dma_wait3A_133] : memref<2x128xi32, #tpu.memory_space<vmem>> -> memref<1x128xi32, #tpu.memory_space<vmem>>
      %dma_wait3A_135 = tpu.memref_squeeze %dma_wait3A_134 : memref<1x128xi32, #tpu.memory_space<vmem>> -> memref<128xi32, #tpu.memory_space<vmem>>
      %dma_wait3A_136 = arith.constant 0 : i32
      %dma_wait3A_137 = tpu.memref_slice %arg3[%add3A, %add3A_102, %dma_wait3A_136] : memref<32x80x128xi32, #tpu.memory_space<hbm>> -> memref<1x1x128xi32, #tpu.memory_space<hbm>>
      %dma_wait3A_138 = tpu.memref_squeeze %dma_wait3A_137 : memref<1x1x128xi32, #tpu.memory_space<hbm>> -> memref<128xi32, #tpu.memory_space<hbm>>
      tpu.wait_dma2 semaphore(%arg14 : memref<!tpu.dma_semaphore, #tpu.memory_space<semaphore_mem>>) src(%dma_wait3A_138 : memref<128xi32, #tpu.memory_space<hbm>>) dst(%dma_wait3A_135 : memref<128xi32, #tpu.memory_space<vmem>>)
      %dma_start3A_139 = arith.constant 0 : i32
      %dma_start3A_140 = arith.constant 0 : i32
      %dma_start3A_141 = tpu.memref_slice %arg8[%dma_start3A_139, %dma_start3A_140] : memref<2x128xi32, #tpu.memory_space<vmem>> -> memref<1x128xi32, #tpu.memory_space<vmem>>
      %dma_start3A_142 = tpu.memref_squeeze %dma_start3A_141 : memref<1x128xi32, #tpu.memory_space<vmem>> -> memref<128xi32, #tpu.memory_space<vmem>>
      %dma_start3A_143 = arith.constant 0 : i32
      %dma_start3A_144 = arith.constant 0 : i32
      %dma_start3A_145 = tpu.memref_slice %arg11[%dma_start3A_143, %dma_start3A_144] : memref<10112x128xf32, #tpu.memory_space<vmem_shared>> -> memref<10112x128xf32, #tpu.memory_space<vmem_shared>>
      tpu.enqueue_indirect_dma source(%arg9 : memref<128x128xf32, #tpu.memory_space<vmem>>) target(%dma_start3A_145 : memref<10112x128xf32, #tpu.memory_space<vmem_shared>>) offsets(%dma_start3A_142 : memref<128xi32, #tpu.memory_space<vmem>>) semaphore(%arg12 : memref<!tpu.dma_semaphore, #tpu.memory_space<semaphore_mem>>) {add = true}
      %mul3A_146 = arith.constant 2 : i32
      %mul3A_147 = arith.muli %mul3A_146, %scan3A_98 : i32
      %add3A_148 = arith.constant 3 : i32
      %add3A_149 = arith.addi %mul3A_147, %add3A_148 : i32
      %sub3A_150 = arith.constant 2 : i32
      %sub3A_151 = arith.subi %add3A_149, %sub3A_150 : i32
      %dma_wait3A_152 = arith.constant 1 : i32
      %dma_wait3A_153 = arith.constant 0 : i32
      %dma_wait3A_154 = tpu.memref_slice %arg8[%dma_wait3A_152, %dma_wait3A_153] : memref<2x128xi32, #tpu.memory_space<vmem>> -> memref<1x128xi32, #tpu.memory_space<vmem>>
      %dma_wait3A_155 = tpu.memref_squeeze %dma_wait3A_154 : memref<1x128xi32, #tpu.memory_space<vmem>> -> memref<128xi32, #tpu.memory_space<vmem>>
      %dma_wait3A_156 = arith.constant 0 : i32
      %dma_wait3A_157 = arith.constant 0 : i32
      %dma_wait3A_158 = tpu.memref_slice %arg11[%dma_wait3A_156, %dma_wait3A_157] : memref<10112x128xf32, #tpu.memory_space<vmem_shared>> -> memref<10112x128xf32, #tpu.memory_space<vmem_shared>>
      tpu.wait_indirect_dma semaphore(%arg13 : memref<!tpu.dma_semaphore, #tpu.memory_space<semaphore_mem>>) src(%arg10 : memref<128x128xf32, #tpu.memory_space<vmem>>) dst(%dma_wait3A_158 : memref<10112x128xf32, #tpu.memory_space<vmem_shared>>)
      %dma_start3A_159 = arith.constant 1 : i32
      %dma_start3A_160 = arith.constant 0 : i32
      %dma_start3A_161 = tpu.memref_slice %arg8[%dma_start3A_159, %dma_start3A_160] : memref<2x128xi32, #tpu.memory_space<vmem>> -> memref<1x128xi32, #tpu.memory_space<vmem>>
      %dma_start3A_162 = tpu.memref_squeeze %dma_start3A_161 : memref<1x128xi32, #tpu.memory_space<vmem>> -> memref<128xi32, #tpu.memory_space<vmem>>
      %dma_start3A_163 = arith.constant 0 : i32
      %dma_start3A_164 = tpu.memref_slice %arg3[%add3A, %add3A_149, %dma_start3A_163] : memref<32x80x128xi32, #tpu.memory_space<hbm>> -> memref<1x1x128xi32, #tpu.memory_space<hbm>>
      %dma_start3A_165 = tpu.memref_squeeze %dma_start3A_164 : memref<1x1x128xi32, #tpu.memory_space<hbm>> -> memref<128xi32, #tpu.memory_space<hbm>>
      %dma_start3A_166 = arith.constant 0 : i32
      %dma_start3A_167 = tpu.memref_slice %arg8[%dma_start3A_159, %dma_start3A_166] : memref<2x128xi32, #tpu.memory_space<vmem>> -> memref<1x128xi32, #tpu.memory_space<vmem>>
      %dma_start3A_168 = tpu.memref_squeeze %dma_start3A_167 : memref<1x128xi32, #tpu.memory_space<vmem>> -> memref<128xi32, #tpu.memory_space<vmem>>
      %dma_start3A_169 = arith.constant 0 : i32
      %dma_start3A_170 = tpu.memref_slice %arg3[%add3A, %add3A_149, %dma_start3A_169] : memref<32x80x128xi32, #tpu.memory_space<hbm>> -> memref<1x1x128xi32, #tpu.memory_space<hbm>>
      %dma_start3A_171 = tpu.memref_squeeze %dma_start3A_170 : memref<1x1x128xi32, #tpu.memory_space<hbm>> -> memref<128xi32, #tpu.memory_space<hbm>>
      tpu.enqueue_dma source(%dma_start3A_171 : memref<128xi32, #tpu.memory_space<hbm>>) target(%dma_start3A_168 : memref<128xi32, #tpu.memory_space<vmem>>) target_semaphore(%arg15 : memref<!tpu.dma_semaphore, #tpu.memory_space<semaphore_mem>>)
      %mul3A_172 = arith.constant 128 : i32
      %mul3A_173 = arith.muli %add3A_149, %mul3A_172 : i32
      "tpu.region"() ({
        %run_scoped3A = tpu.sem_alloc : memref<!tpu.dma_semaphore, #tpu.memory_space<semaphore_mem>>
        %dma_start3A_194 = tpu.memref_slice %arg7[%mul3A_173] : memref<10240xi32, #tpu.memory_space<vmem>> -> memref<128xi32, #tpu.memory_space<vmem>>
        %dma_start3A_195 = arith.constant 0 : i32
        %dma_start3A_196 = arith.constant 0 : i32
        %dma_start3A_197 = tpu.memref_slice %arg4[%dma_start3A_195, %dma_start3A_196] : memref<10000x128xf32, #tpu.memory_space<hbm>> -> memref<10000x128xf32, #tpu.memory_space<hbm>>
        tpu.enqueue_indirect_dma source(%dma_start3A_197 : memref<10000x128xf32, #tpu.memory_space<hbm>>) target(%arg10 : memref<128x128xf32, #tpu.memory_space<vmem>>) offsets(%dma_start3A_194 : memref<128xi32, #tpu.memory_space<vmem>>) semaphore(%run_scoped3A : memref<!tpu.dma_semaphore, #tpu.memory_space<semaphore_mem>>)
        %dma_wait3A_198 = tpu.memref_slice %arg7[%mul3A_173] : memref<10240xi32, #tpu.memory_space<vmem>> -> memref<128xi32, #tpu.memory_space<vmem>>
        %dma_wait3A_199 = arith.constant 0 : i32
        %dma_wait3A_200 = arith.constant 0 : i32
        %dma_wait3A_201 = tpu.memref_slice %arg4[%dma_wait3A_199, %dma_wait3A_200] : memref<10000x128xf32, #tpu.memory_space<hbm>> -> memref<10000x128xf32, #tpu.memory_space<hbm>>
        tpu.wait_indirect_dma semaphore(%run_scoped3A : memref<!tpu.dma_semaphore, #tpu.memory_space<semaphore_mem>>) src(%dma_wait3A_201 : memref<10000x128xf32, #tpu.memory_space<hbm>>) dst(%arg10 : memref<128x128xf32, #tpu.memory_space<vmem>>)
        tpu.yield
      }) : () -> ()
      %dma_wait3A_174 = arith.constant 1 : i32
      %dma_wait3A_175 = arith.constant 0 : i32
      %dma_wait3A_176 = tpu.memref_slice %arg8[%dma_wait3A_174, %dma_wait3A_175] : memref<2x128xi32, #tpu.memory_space<vmem>> -> memref<1x128xi32, #tpu.memory_space<vmem>>
      %dma_wait3A_177 = tpu.memref_squeeze %dma_wait3A_176 : memref<1x128xi32, #tpu.memory_space<vmem>> -> memref<128xi32, #tpu.memory_space<vmem>>
      %dma_wait3A_178 = arith.constant 0 : i32
      %dma_wait3A_179 = tpu.memref_slice %arg3[%add3A, %add3A_149, %dma_wait3A_178] : memref<32x80x128xi32, #tpu.memory_space<hbm>> -> memref<1x1x128xi32, #tpu.memory_space<hbm>>
      %dma_wait3A_180 = tpu.memref_squeeze %dma_wait3A_179 : memref<1x1x128xi32, #tpu.memory_space<hbm>> -> memref<128xi32, #tpu.memory_space<hbm>>
      %dma_wait3A_181 = arith.constant 0 : i32
      %dma_wait3A_182 = tpu.memref_slice %arg8[%dma_wait3A_174, %dma_wait3A_181] : memref<2x128xi32, #tpu.memory_space<vmem>> -> memref<1x128xi32, #tpu.memory_space<vmem>>
      %dma_wait3A_183 = tpu.memref_squeeze %dma_wait3A_182 : memref<1x128xi32, #tpu.memory_space<vmem>> -> memref<128xi32, #tpu.memory_space<vmem>>
      %dma_wait3A_184 = arith.constant 0 : i32
      %dma_wait3A_185 = tpu.memref_slice %arg3[%add3A, %add3A_149, %dma_wait3A_184] : memref<32x80x128xi32, #tpu.memory_space<hbm>> -> memref<1x1x128xi32, #tpu.memory_space<hbm>>
      %dma_wait3A_186 = tpu.memref_squeeze %dma_wait3A_185 : memref<1x1x128xi32, #tpu.memory_space<hbm>> -> memref<128xi32, #tpu.memory_space<hbm>>
      tpu.wait_dma2 semaphore(%arg15 : memref<!tpu.dma_semaphore, #tpu.memory_space<semaphore_mem>>) src(%dma_wait3A_186 : memref<128xi32, #tpu.memory_space<hbm>>) dst(%dma_wait3A_183 : memref<128xi32, #tpu.memory_space<vmem>>)
      %dma_start3A_187 = arith.constant 1 : i32
      %dma_start3A_188 = arith.constant 0 : i32
      %dma_start3A_189 = tpu.memref_slice %arg8[%dma_start3A_187, %dma_start3A_188] : memref<2x128xi32, #tpu.memory_space<vmem>> -> memref<1x128xi32, #tpu.memory_space<vmem>>
      %dma_start3A_190 = tpu.memref_squeeze %dma_start3A_189 : memref<1x128xi32, #tpu.memory_space<vmem>> -> memref<128xi32, #tpu.memory_space<vmem>>
      %dma_start3A_191 = arith.constant 0 : i32
      %dma_start3A_192 = arith.constant 0 : i32
      %dma_start3A_193 = tpu.memref_slice %arg11[%dma_start3A_191, %dma_start3A_192] : memref<10112x128xf32, #tpu.memory_space<vmem_shared>> -> memref<10112x128xf32, #tpu.memory_space<vmem_shared>>
      tpu.enqueue_indirect_dma source(%arg10 : memref<128x128xf32, #tpu.memory_space<vmem>>) target(%dma_start3A_193 : memref<10112x128xf32, #tpu.memory_space<vmem_shared>>) offsets(%dma_start3A_190 : memref<128xi32, #tpu.memory_space<vmem>>) semaphore(%arg13 : memref<!tpu.dma_semaphore, #tpu.memory_space<semaphore_mem>>) {add = true}
    }
    %scan3A_78 = arith.constant 39 : i32
    %dma_wait3A_79 = arith.constant 0 : i32
    %dma_wait3A_80 = arith.constant 0 : i32
    %dma_wait3A_81 = tpu.memref_slice %arg8[%dma_wait3A_79, %dma_wait3A_80] : memref<2x128xi32, #tpu.memory_space<vmem>> -> memref<1x128xi32, #tpu.memory_space<vmem>>
    %dma_wait3A_82 = tpu.memref_squeeze %dma_wait3A_81 : memref<1x128xi32, #tpu.memory_space<vmem>> -> memref<128xi32, #tpu.memory_space<vmem>>
    %dma_wait3A_83 = arith.constant 0 : i32
    %dma_wait3A_84 = arith.constant 0 : i32
    %dma_wait3A_85 = tpu.memref_slice %arg11[%dma_wait3A_83, %dma_wait3A_84] : memref<10112x128xf32, #tpu.memory_space<vmem_shared>> -> memref<10112x128xf32, #tpu.memory_space<vmem_shared>>
    tpu.wait_indirect_dma semaphore(%arg12 : memref<!tpu.dma_semaphore, #tpu.memory_space<semaphore_mem>>) src(%arg9 : memref<128x128xf32, #tpu.memory_space<vmem>>) dst(%dma_wait3A_85 : memref<10112x128xf32, #tpu.memory_space<vmem_shared>>)
    %dma_wait3A_86 = arith.constant 1 : i32
    %dma_wait3A_87 = arith.constant 0 : i32
    %dma_wait3A_88 = tpu.memref_slice %arg8[%dma_wait3A_86, %dma_wait3A_87] : memref<2x128xi32, #tpu.memory_space<vmem>> -> memref<1x128xi32, #tpu.memory_space<vmem>>
    %dma_wait3A_89 = tpu.memref_squeeze %dma_wait3A_88 : memref<1x128xi32, #tpu.memory_space<vmem>> -> memref<128xi32, #tpu.memory_space<vmem>>
    %dma_wait3A_90 = arith.constant 0 : i32
    %dma_wait3A_91 = arith.constant 0 : i32
    %dma_wait3A_92 = tpu.memref_slice %arg11[%dma_wait3A_90, %dma_wait3A_91] : memref<10112x128xf32, #tpu.memory_space<vmem_shared>> -> memref<10112x128xf32, #tpu.memory_space<vmem_shared>>
    tpu.wait_indirect_dma semaphore(%arg13 : memref<!tpu.dma_semaphore, #tpu.memory_space<semaphore_mem>>) src(%arg10 : memref<128x128xf32, #tpu.memory_space<vmem>>) dst(%dma_wait3A_92 : memref<10112x128xf32, #tpu.memory_space<vmem_shared>>)
    %barrier3A_93 = arith.constant 0 : index
    tpu.barrier barrier_id(%barrier3A_93)
    %mul3A_94 = arith.constant 632 : i32
    %mul3A_95 = arith.muli %arg1, %mul3A_94 : i32
    %mul3A_96 = arith.constant 632 : i32
    %mul3A_97 = arith.muli %arg1, %mul3A_96 : i32
    "tpu.region"() ({
      %run_scoped3A = tpu.sem_alloc : memref<!tpu.dma_semaphore, #tpu.memory_space<semaphore_mem>>
      %dma_start3A_98 = arith.constant 0 : i32
      %dma_start3A_99 = tpu.memref_slice %arg6[%arg0, %mul3A_97, %dma_start3A_98] : memref<2x10112x128xf32, #tpu.memory_space<hbm>> -> memref<1x632x128xf32, #tpu.memory_space<hbm>>
      %dma_start3A_100 = tpu.memref_squeeze %dma_start3A_99 : memref<1x632x128xf32, #tpu.memory_space<hbm>> -> memref<632x128xf32, #tpu.memory_space<hbm>>
      %dma_start3A_101 = arith.constant 0 : i32
      %dma_start3A_102 = tpu.memref_slice %arg11[%mul3A_95, %dma_start3A_101] : memref<10112x128xf32, #tpu.memory_space<vmem_shared>> -> memref<632x128xf32, #tpu.memory_space<vmem_shared>>
      tpu.enqueue_dma source(%dma_start3A_102 : memref<632x128xf32, #tpu.memory_space<vmem_shared>>) target(%dma_start3A_100 : memref<632x128xf32, #tpu.memory_space<hbm>>) target_semaphore(%run_scoped3A : memref<!tpu.dma_semaphore, #tpu.memory_space<semaphore_mem>>)
      %dma_wait3A_103 = arith.constant 0 : i32
      %dma_wait3A_104 = tpu.memref_slice %arg6[%arg0, %mul3A_97, %dma_wait3A_103] : memref<2x10112x128xf32, #tpu.memory_space<hbm>> -> memref<1x632x128xf32, #tpu.memory_space<hbm>>
      %dma_wait3A_105 = tpu.memref_squeeze %dma_wait3A_104 : memref<1x632x128xf32, #tpu.memory_space<hbm>> -> memref<632x128xf32, #tpu.memory_space<hbm>>
      %dma_wait3A_106 = arith.constant 0 : i32
      %dma_wait3A_107 = tpu.memref_slice %arg11[%mul3A_95, %dma_wait3A_106] : memref<10112x128xf32, #tpu.memory_space<vmem_shared>> -> memref<632x128xf32, #tpu.memory_space<vmem_shared>>
      tpu.wait_dma2 semaphore(%run_scoped3A : memref<!tpu.dma_semaphore, #tpu.memory_space<semaphore_mem>>) src(%dma_wait3A_107 : memref<632x128xf32, #tpu.memory_space<vmem_shared>>) dst(%dma_wait3A_105 : memref<632x128xf32, #tpu.memory_space<hbm>>)
      tpu.yield
    }) : () -> ()
    return
  }
}

#map = affine_map<(d0, d1) -> (0)>
#map1 = affine_map<(d0, d1) -> (0, 0)>
module attributes {stable_mosaic.version = 14 : i64} {
  func.func @_deg_body(%arg0: i32, %arg1: i32, %arg2: memref<327680xi32, #tpu.memory_space<hbm>>, %arg3: memref<2x10240xf32, #tpu.memory_space<hbm>>, %arg4: memref<10240xi32, #tpu.memory_space<vmem>>, %arg5: memref<10240xf32, #tpu.memory_space<vmem>>, %arg6: memref<16x640xf32, #tpu.memory_space<vmem>>, %arg7: memref<640xf32, #tpu.memory_space<vmem>>, %arg8: memref<16x10240xf32, #tpu.memory_space<vmem_shared>>) attributes {dimension_semantics = [#tpu.dimension_semantics<core_parallel>, #tpu.dimension_semantics<subcore_parallel>], iteration_bounds = array<i64: 2, 16>, scalar_prefetch = 0 : i64, scratch_operands = 5 : i64, tpu.core_type = #tpu.core_type<sc_vector_subcore>, window_params = [{transform_indices = #map}, {transform_indices = #map1}]} {
    %mul3A = arith.constant 16 : i32
    %mul3A_0 = arith.muli %arg0, %mul3A : i32
    %add3A = arith.addi %mul3A_0, %arg1 : i32
    %mul3A_1 = arith.constant 10240 : i32
    %mul3A_2 = arith.muli %add3A, %mul3A_1 : i32
    "tpu.region"() ({
      %run_scoped3A = tpu.sem_alloc : memref<!tpu.dma_semaphore, #tpu.memory_space<semaphore_mem>>
      %dma_start3A = tpu.memref_slice %arg2[%mul3A_2] : memref<327680xi32, #tpu.memory_space<hbm>> -> memref<10240xi32, #tpu.memory_space<hbm>>
      %dma_start3A_22 = tpu.memref_slice %arg2[%mul3A_2] : memref<327680xi32, #tpu.memory_space<hbm>> -> memref<10240xi32, #tpu.memory_space<hbm>>
      tpu.enqueue_dma source(%dma_start3A_22 : memref<10240xi32, #tpu.memory_space<hbm>>) target(%arg4 : memref<10240xi32, #tpu.memory_space<vmem>>) target_semaphore(%run_scoped3A : memref<!tpu.dma_semaphore, #tpu.memory_space<semaphore_mem>>)
      %dma_wait3A = tpu.memref_slice %arg2[%mul3A_2] : memref<327680xi32, #tpu.memory_space<hbm>> -> memref<10240xi32, #tpu.memory_space<hbm>>
      %dma_wait3A_23 = tpu.memref_slice %arg2[%mul3A_2] : memref<327680xi32, #tpu.memory_space<hbm>> -> memref<10240xi32, #tpu.memory_space<hbm>>
      tpu.wait_dma2 semaphore(%run_scoped3A : memref<!tpu.dma_semaphore, #tpu.memory_space<semaphore_mem>>) src(%dma_wait3A_23 : memref<10240xi32, #tpu.memory_space<hbm>>) dst(%arg4 : memref<10240xi32, #tpu.memory_space<vmem>>)
      tpu.yield
    }) : () -> ()
    %scan3A = arith.constant 0 : i32
    %scan3A_3 = arith.constant 640 : i32
    %scan3A_4 = arith.addi %scan3A, %scan3A_3 : i32
    %scan3A_5 = arith.constant 1 : i32
    scf.for %scan3A_22 = %scan3A to %scan3A_4 step %scan3A_5  : i32 {
      %broadcast_in_dim3A_23 = arith.constant 0.000000e+00 : f32
      %broadcast_in_dim3A_24 = vector.broadcast %broadcast_in_dim3A_23 : f32 to vector<16xf32>
      %mul3A_25 = arith.constant 16 : i32
      %mul3A_26 = arith.muli %scan3A_22, %mul3A_25 : i32
      %swap3A = arith.index_cast %mul3A_26 : i32 to index
      %swap3A_27 = tpu.vector_load %arg5[%swap3A] {strides = array<i32>} : memref<10240xf32, #tpu.memory_space<vmem>>, vector<16xf32>,
      tpu.vector_store %arg5[%swap3A], %broadcast_in_dim3A_24 {strides = array<i32>} : memref<10240xf32, #tpu.memory_space<vmem>>, vector<16xf32>,
    }
    %scan3A_6 = arith.constant 640 : i32
    %broadcast_in_dim3A = arith.constant 1.000000e+00 : f32
    %broadcast_in_dim3A_7 = vector.broadcast %broadcast_in_dim3A : f32 to vector<16xf32>
    %scan3A_8 = arith.constant 0 : i32
    %scan3A_9 = arith.constant 640 : i32
    %scan3A_10 = arith.addi %scan3A_8, %scan3A_9 : i32
    %scan3A_11 = arith.constant 1 : i32
    scf.for %scan3A_22 = %scan3A_8 to %scan3A_10 step %scan3A_11  : i32 {
      %mul3A_23 = arith.constant 16 : i32
      %mul3A_24 = arith.muli %scan3A_22, %mul3A_23 : i32
      %get3A = arith.index_cast %mul3A_24 : i32 to index
      %get3A_25 = tpu.vector_load %arg4[%get3A] {strides = array<i32>} : memref<10240xi32, #tpu.memory_space<vmem>>, vector<16xi32>,
      tpu.vector_store_idx %arg5[%get3A_25], %broadcast_in_dim3A_7 {add = true} : memref<10240xf32, #tpu.memory_space<vmem>>[vector<16xi32>], vector<16xf32>,
    }
    %scan3A_12 = arith.constant 640 : i32
    "tpu.region"() ({
      %run_scoped3A = tpu.sem_alloc : memref<!tpu.dma_semaphore, #tpu.memory_space<semaphore_mem>>
      %dma_start3A = arith.constant 0 : i32
      %dma_start3A_22 = tpu.memref_slice %arg8[%arg1, %dma_start3A] : memref<16x10240xf32, #tpu.memory_space<vmem_shared>> -> memref<1x10240xf32, #tpu.memory_space<vmem_shared>>
      %dma_start3A_23 = tpu.memref_squeeze %dma_start3A_22 : memref<1x10240xf32, #tpu.memory_space<vmem_shared>> -> memref<10240xf32, #tpu.memory_space<vmem_shared>>
      %dma_start3A_24 = arith.constant 0 : i32
      %dma_start3A_25 = tpu.memref_slice %arg8[%arg1, %dma_start3A_24] : memref<16x10240xf32, #tpu.memory_space<vmem_shared>> -> memref<1x10240xf32, #tpu.memory_space<vmem_shared>>
      %dma_start3A_26 = tpu.memref_squeeze %dma_start3A_25 : memref<1x10240xf32, #tpu.memory_space<vmem_shared>> -> memref<10240xf32, #tpu.memory_space<vmem_shared>>
      tpu.enqueue_dma source(%arg5 : memref<10240xf32, #tpu.memory_space<vmem>>) target(%dma_start3A_26 : memref<10240xf32, #tpu.memory_space<vmem_shared>>) target_semaphore(%run_scoped3A : memref<!tpu.dma_semaphore, #tpu.memory_space<semaphore_mem>>)
      %dma_wait3A = arith.constant 0 : i32
      %dma_wait3A_27 = tpu.memref_slice %arg8[%arg1, %dma_wait3A] : memref<16x10240xf32, #tpu.memory_space<vmem_shared>> -> memref<1x10240xf32, #tpu.memory_space<vmem_shared>>
      %dma_wait3A_28 = tpu.memref_squeeze %dma_wait3A_27 : memref<1x10240xf32, #tpu.memory_space<vmem_shared>> -> memref<10240xf32, #tpu.memory_space<vmem_shared>>
      %dma_wait3A_29 = arith.constant 0 : i32
      %dma_wait3A_30 = tpu.memref_slice %arg8[%arg1, %dma_wait3A_29] : memref<16x10240xf32, #tpu.memory_space<vmem_shared>> -> memref<1x10240xf32, #tpu.memory_space<vmem_shared>>
      %dma_wait3A_31 = tpu.memref_squeeze %dma_wait3A_30 : memref<1x10240xf32, #tpu.memory_space<vmem_shared>> -> memref<10240xf32, #tpu.memory_space<vmem_shared>>
      tpu.wait_dma2 semaphore(%run_scoped3A : memref<!tpu.dma_semaphore, #tpu.memory_space<semaphore_mem>>) src(%arg5 : memref<10240xf32, #tpu.memory_space<vmem>>) dst(%dma_wait3A_31 : memref<10240xf32, #tpu.memory_space<vmem_shared>>)
      tpu.yield
    }) : () -> ()
    %barrier3A = arith.constant 0 : index
    tpu.barrier barrier_id(%barrier3A)
    %mul3A_13 = arith.constant 640 : i32
    %mul3A_14 = arith.muli %arg1, %mul3A_13 : i32
    "tpu.region"() ({
      %run_scoped3A = tpu.sem_alloc : memref<!tpu.dma_semaphore, #tpu.memory_space<semaphore_mem>>
      %dma_start3A = arith.constant 0 : i32
      %dma_start3A_22 = tpu.memref_slice %arg8[%dma_start3A, %mul3A_14] : memref<16x10240xf32, #tpu.memory_space<vmem_shared>> -> memref<16x640xf32, #tpu.memory_space<vmem_shared>>
      %dma_start3A_23 = arith.constant 0 : i32
      %dma_start3A_24 = tpu.memref_slice %arg8[%dma_start3A_23, %mul3A_14] : memref<16x10240xf32, #tpu.memory_space<vmem_shared>> -> memref<16x640xf32, #tpu.memory_space<vmem_shared>>
      tpu.enqueue_dma source(%dma_start3A_24 : memref<16x640xf32, #tpu.memory_space<vmem_shared>>) target(%arg6 : memref<16x640xf32, #tpu.memory_space<vmem>>) target_semaphore(%run_scoped3A : memref<!tpu.dma_semaphore, #tpu.memory_space<semaphore_mem>>)
      %dma_wait3A = arith.constant 0 : i32
      %dma_wait3A_25 = tpu.memref_slice %arg8[%dma_wait3A, %mul3A_14] : memref<16x10240xf32, #tpu.memory_space<vmem_shared>> -> memref<16x640xf32, #tpu.memory_space<vmem_shared>>
      %dma_wait3A_26 = arith.constant 0 : i32
      %dma_wait3A_27 = tpu.memref_slice %arg8[%dma_wait3A_26, %mul3A_14] : memref<16x10240xf32, #tpu.memory_space<vmem_shared>> -> memref<16x640xf32, #tpu.memory_space<vmem_shared>>
      tpu.wait_dma2 semaphore(%run_scoped3A : memref<!tpu.dma_semaphore, #tpu.memory_space<semaphore_mem>>) src(%dma_wait3A_27 : memref<16x640xf32, #tpu.memory_space<vmem_shared>>) dst(%arg6 : memref<16x640xf32, #tpu.memory_space<vmem>>)
      tpu.yield
    }) : () -> ()
    %scan3A_15 = arith.constant 0 : i32
    %scan3A_16 = arith.constant 40 : i32
    %scan3A_17 = arith.addi %scan3A_15, %scan3A_16 : i32
    %scan3A_18 = arith.constant 1 : i32
    scf.for %scan3A_22 = %scan3A_15 to %scan3A_17 step %scan3A_18  : i32 {
      %mul3A_23 = arith.constant 16 : i32
      %mul3A_24 = arith.muli %scan3A_22, %mul3A_23 : i32
      %get3A = arith.constant 0 : i32
      %get3A_25 = arith.index_cast %get3A : i32 to index
      %get3A_26 = arith.index_cast %mul3A_24 : i32 to index
      %get3A_27 = tpu.vector_load %arg6[%get3A_25, %get3A_26] {strides = array<i32>} : memref<16x640xf32, #tpu.memory_space<vmem>>, vector<16xf32>,
      %mul3A_28 = arith.constant 16 : i32
      %mul3A_29 = arith.muli %scan3A_22, %mul3A_28 : i32
      %get3A_30 = arith.constant 1 : i32
      %get3A_31 = arith.index_cast %get3A_30 : i32 to index
      %get3A_32 = arith.index_cast %mul3A_29 : i32 to index
      %get3A_33 = tpu.vector_load %arg6[%get3A_31, %get3A_32] {strides = array<i32>} : memref<16x640xf32, #tpu.memory_space<vmem>>, vector<16xf32>,
      %add3A_34 = arith.addf %get3A_27, %get3A_33 : vector<16xf32>
      %mul3A_35 = arith.constant 16 : i32
      %mul3A_36 = arith.muli %scan3A_22, %mul3A_35 : i32
      %get3A_37 = arith.constant 2 : i32
      %get3A_38 = arith.index_cast %get3A_37 : i32 to index
      %get3A_39 = arith.index_cast %mul3A_36 : i32 to index
      %get3A_40 = tpu.vector_load %arg6[%get3A_38, %get3A_39] {strides = array<i32>} : memref<16x640xf32, #tpu.memory_space<vmem>>, vector<16xf32>,
      %add3A_41 = arith.addf %add3A_34, %get3A_40 : vector<16xf32>
      %mul3A_42 = arith.constant 16 : i32
      %mul3A_43 = arith.muli %scan3A_22, %mul3A_42 : i32
      %get3A_44 = arith.constant 3 : i32
      %get3A_45 = arith.index_cast %get3A_44 : i32 to index
      %get3A_46 = arith.index_cast %mul3A_43 : i32 to index
      %get3A_47 = tpu.vector_load %arg6[%get3A_45, %get3A_46] {strides = array<i32>} : memref<16x640xf32, #tpu.memory_space<vmem>>, vector<16xf32>,
      %add3A_48 = arith.addf %add3A_41, %get3A_47 : vector<16xf32>
      %mul3A_49 = arith.constant 16 : i32
      %mul3A_50 = arith.muli %scan3A_22, %mul3A_49 : i32
      %get3A_51 = arith.constant 4 : i32
      %get3A_52 = arith.index_cast %get3A_51 : i32 to index
      %get3A_53 = arith.index_cast %mul3A_50 : i32 to index
      %get3A_54 = tpu.vector_load %arg6[%get3A_52, %get3A_53] {strides = array<i32>} : memref<16x640xf32, #tpu.memory_space<vmem>>, vector<16xf32>,
      %add3A_55 = arith.addf %add3A_48, %get3A_54 : vector<16xf32>
      %mul3A_56 = arith.constant 16 : i32
      %mul3A_57 = arith.muli %scan3A_22, %mul3A_56 : i32
      %get3A_58 = arith.constant 5 : i32
      %get3A_59 = arith.index_cast %get3A_58 : i32 to index
      %get3A_60 = arith.index_cast %mul3A_57 : i32 to index
      %get3A_61 = tpu.vector_load %arg6[%get3A_59, %get3A_60] {strides = array<i32>} : memref<16x640xf32, #tpu.memory_space<vmem>>, vector<16xf32>,
      %add3A_62 = arith.addf %add3A_55, %get3A_61 : vector<16xf32>
      %mul3A_63 = arith.constant 16 : i32
      %mul3A_64 = arith.muli %scan3A_22, %mul3A_63 : i32
      %get3A_65 = arith.constant 6 : i32
      %get3A_66 = arith.index_cast %get3A_65 : i32 to index
      %get3A_67 = arith.index_cast %mul3A_64 : i32 to index
      %get3A_68 = tpu.vector_load %arg6[%get3A_66, %get3A_67] {strides = array<i32>} : memref<16x640xf32, #tpu.memory_space<vmem>>, vector<16xf32>,
      %add3A_69 = arith.addf %add3A_62, %get3A_68 : vector<16xf32>
      %mul3A_70 = arith.constant 16 : i32
      %mul3A_71 = arith.muli %scan3A_22, %mul3A_70 : i32
      %get3A_72 = arith.constant 7 : i32
      %get3A_73 = arith.index_cast %get3A_72 : i32 to index
      %get3A_74 = arith.index_cast %mul3A_71 : i32 to index
      %get3A_75 = tpu.vector_load %arg6[%get3A_73, %get3A_74] {strides = array<i32>} : memref<16x640xf32, #tpu.memory_space<vmem>>, vector<16xf32>,
      %add3A_76 = arith.addf %add3A_69, %get3A_75 : vector<16xf32>
      %mul3A_77 = arith.constant 16 : i32
      %mul3A_78 = arith.muli %scan3A_22, %mul3A_77 : i32
      %get3A_79 = arith.constant 8 : i32
      %get3A_80 = arith.index_cast %get3A_79 : i32 to index
      %get3A_81 = arith.index_cast %mul3A_78 : i32 to index
      %get3A_82 = tpu.vector_load %arg6[%get3A_80, %get3A_81] {strides = array<i32>} : memref<16x640xf32, #tpu.memory_space<vmem>>, vector<16xf32>,
      %add3A_83 = arith.addf %add3A_76, %get3A_82 : vector<16xf32>
      %mul3A_84 = arith.constant 16 : i32
      %mul3A_85 = arith.muli %scan3A_22, %mul3A_84 : i32
      %get3A_86 = arith.constant 9 : i32
      %get3A_87 = arith.index_cast %get3A_86 : i32 to index
      %get3A_88 = arith.index_cast %mul3A_85 : i32 to index
      %get3A_89 = tpu.vector_load %arg6[%get3A_87, %get3A_88] {strides = array<i32>} : memref<16x640xf32, #tpu.memory_space<vmem>>, vector<16xf32>,
      %add3A_90 = arith.addf %add3A_83, %get3A_89 : vector<16xf32>
      %mul3A_91 = arith.constant 16 : i32
      %mul3A_92 = arith.muli %scan3A_22, %mul3A_91 : i32
      %get3A_93 = arith.constant 10 : i32
      %get3A_94 = arith.index_cast %get3A_93 : i32 to index
      %get3A_95 = arith.index_cast %mul3A_92 : i32 to index
      %get3A_96 = tpu.vector_load %arg6[%get3A_94, %get3A_95] {strides = array<i32>} : memref<16x640xf32, #tpu.memory_space<vmem>>, vector<16xf32>,
      %add3A_97 = arith.addf %add3A_90, %get3A_96 : vector<16xf32>
      %mul3A_98 = arith.constant 16 : i32
      %mul3A_99 = arith.muli %scan3A_22, %mul3A_98 : i32
      %get3A_100 = arith.constant 11 : i32
      %get3A_101 = arith.index_cast %get3A_100 : i32 to index
      %get3A_102 = arith.index_cast %mul3A_99 : i32 to index
      %get3A_103 = tpu.vector_load %arg6[%get3A_101, %get3A_102] {strides = array<i32>} : memref<16x640xf32, #tpu.memory_space<vmem>>, vector<16xf32>,
      %add3A_104 = arith.addf %add3A_97, %get3A_103 : vector<16xf32>
      %mul3A_105 = arith.constant 16 : i32
      %mul3A_106 = arith.muli %scan3A_22, %mul3A_105 : i32
      %get3A_107 = arith.constant 12 : i32
      %get3A_108 = arith.index_cast %get3A_107 : i32 to index
      %get3A_109 = arith.index_cast %mul3A_106 : i32 to index
      %get3A_110 = tpu.vector_load %arg6[%get3A_108, %get3A_109] {strides = array<i32>} : memref<16x640xf32, #tpu.memory_space<vmem>>, vector<16xf32>,
      %add3A_111 = arith.addf %add3A_104, %get3A_110 : vector<16xf32>
      %mul3A_112 = arith.constant 16 : i32
      %mul3A_113 = arith.muli %scan3A_22, %mul3A_112 : i32
      %get3A_114 = arith.constant 13 : i32
      %get3A_115 = arith.index_cast %get3A_114 : i32 to index
      %get3A_116 = arith.index_cast %mul3A_113 : i32 to index
      %get3A_117 = tpu.vector_load %arg6[%get3A_115, %get3A_116] {strides = array<i32>} : memref<16x640xf32, #tpu.memory_space<vmem>>, vector<16xf32>,
      %add3A_118 = arith.addf %add3A_111, %get3A_117 : vector<16xf32>
      %mul3A_119 = arith.constant 16 : i32
      %mul3A_120 = arith.muli %scan3A_22, %mul3A_119 : i32
      %get3A_121 = arith.constant 14 : i32
      %get3A_122 = arith.index_cast %get3A_121 : i32 to index
      %get3A_123 = arith.index_cast %mul3A_120 : i32 to index
      %get3A_124 = tpu.vector_load %arg6[%get3A_122, %get3A_123] {strides = array<i32>} : memref<16x640xf32, #tpu.memory_space<vmem>>, vector<16xf32>,
      %add3A_125 = arith.addf %add3A_118, %get3A_124 : vector<16xf32>
      %mul3A_126 = arith.constant 16 : i32
      %mul3A_127 = arith.muli %scan3A_22, %mul3A_126 : i32
      %get3A_128 = arith.constant 15 : i32
      %get3A_129 = arith.index_cast %get3A_128 : i32 to index
      %get3A_130 = arith.index_cast %mul3A_127 : i32 to index
      %get3A_131 = tpu.vector_load %arg6[%get3A_129, %get3A_130] {strides = array<i32>} : memref<16x640xf32, #tpu.memory_space<vmem>>, vector<16xf32>,
      %add3A_132 = arith.addf %add3A_125, %get3A_131 : vector<16xf32>
      %mul3A_133 = arith.constant 16 : i32
      %mul3A_134 = arith.muli %scan3A_22, %mul3A_133 : i32
      %swap3A = arith.index_cast %mul3A_134 : i32 to index
      %swap3A_135 = tpu.vector_load %arg7[%swap3A] {strides = array<i32>} : memref<640xf32, #tpu.memory_space<vmem>>, vector<16xf32>,
      tpu.vector_store %arg7[%swap3A], %add3A_132 {strides = array<i32>} : memref<640xf32, #tpu.memory_space<vmem>>, vector<16xf32>,
    }
    %scan3A_19 = arith.constant 40 : i32
    %mul3A_20 = arith.constant 640 : i32
    %mul3A_21 = arith.muli %arg1, %mul3A_20 : i32
    "tpu.region"() ({
      %run_scoped3A = tpu.sem_alloc : memref<!tpu.dma_semaphore, #tpu.memory_space<semaphore_mem>>
      %dma_start3A = tpu.memref_slice %arg3[%arg0, %mul3A_21] : memref<2x10240xf32, #tpu.memory_space<hbm>> -> memref<1x640xf32, #tpu.memory_space<hbm>>
      %dma_start3A_22 = tpu.memref_squeeze %dma_start3A : memref<1x640xf32, #tpu.memory_space<hbm>> -> memref<640xf32, #tpu.memory_space<hbm>>
      %dma_start3A_23 = tpu.memref_slice %arg3[%arg0, %mul3A_21] : memref<2x10240xf32, #tpu.memory_space<hbm>> -> memref<1x640xf32, #tpu.memory_space<hbm>>
      %dma_start3A_24 = tpu.memref_squeeze %dma_start3A_23 : memref<1x640xf32, #tpu.memory_space<hbm>> -> memref<640xf32, #tpu.memory_space<hbm>>
      tpu.enqueue_dma source(%arg7 : memref<640xf32, #tpu.memory_space<vmem>>) target(%dma_start3A_24 : memref<640xf32, #tpu.memory_space<hbm>>) target_semaphore(%run_scoped3A : memref<!tpu.dma_semaphore, #tpu.memory_space<semaphore_mem>>)
      %dma_wait3A = tpu.memref_slice %arg3[%arg0, %mul3A_21] : memref<2x10240xf32, #tpu.memory_space<hbm>> -> memref<1x640xf32, #tpu.memory_space<hbm>>
      %dma_wait3A_25 = tpu.memref_squeeze %dma_wait3A : memref<1x640xf32, #tpu.memory_space<hbm>> -> memref<640xf32, #tpu.memory_space<hbm>>
      %dma_wait3A_26 = tpu.memref_slice %arg3[%arg0, %mul3A_21] : memref<2x10240xf32, #tpu.memory_space<hbm>> -> memref<1x640xf32, #tpu.memory_space<hbm>>
      %dma_wait3A_27 = tpu.memref_squeeze %dma_wait3A_26 : memref<1x640xf32, #tpu.memory_space<hbm>> -> memref<640xf32, #tpu.memory_space<hbm>>
      tpu.wait_dma2 semaphore(%run_scoped3A : memref<!tpu.dma_semaphore, #tpu.memory_space<semaphore_mem>>) src(%arg7 : memref<640xf32, #tpu.memory_space<vmem>>) dst(%dma_wait3A_27 : memref<640xf32, #tpu.memory_space<hbm>>)
      tpu.yield
    }) : () -> ()
    return
  }
}

module attributes {stable_mosaic.version = 14 : i64} {
  func.func @_tca_body(%arg0: i32, %arg1: memref<1000x128xf32, #tpu.memory_space<vmem>>, %arg2: memref<128x128xf32, #tpu.memory_space<vmem>>, %arg3: memref<2x1000x1xf32, #tpu.memory_space<vmem>>, %arg4: memref<1000x128xf32, #tpu.memory_space<vmem>>) attributes {dimension_semantics = [#tpu.dimension_semantics<arbitrary>], iteration_bounds = array<i64: 10>, scalar_prefetch = 0 : i64, scratch_operands = 0 : i64, tpu.core_type = #tpu.core_type<tc>, window_params = [{transform_indices = @transform_0, window_bounds = array<i64: 1000, 128>}, {pipeline_mode = #tpu.pipeline_mode<synchronous>, transform_indices = @transform_1, window_bounds = array<i64: 128, 128>}, {transform_indices = @transform_2, window_bounds = array<i64: 2, 1000, 1>}, {transform_indices = @transform_3, window_bounds = array<i64: 1000, 128>}]} {
    %get3A = arith.constant 0 : index
    %get3A_0 = arith.constant 0 : index
    %get3A_1 = arith.constant 0 : index
    %get3A_2 = vector.load %arg3[%get3A, %get3A_0, %get3A_1] : memref<2x1000x1xf32, #tpu.memory_space<vmem>>, vector<1x1000x1xf32>
    %get3A_3 = vector.shape_cast %get3A_2 : vector<1x1000x1xf32> to vector<1000x1xf32>
    %get3A_4 = arith.constant 1 : index
    %get3A_5 = arith.constant 0 : index
    %get3A_6 = arith.constant 0 : index
    %get3A_7 = vector.load %arg3[%get3A_4, %get3A_5, %get3A_6] : memref<2x1000x1xf32, #tpu.memory_space<vmem>>, vector<1x1000x1xf32>
    %get3A_8 = vector.shape_cast %get3A_7 : vector<1x1000x1xf32> to vector<1000x1xf32>
    %add3A = arith.addf %get3A_3, %get3A_8 : vector<1000x1xf32>
    %add3A_9 = arith.constant 1.000000e+00 : f32
    %add3A_10 = vector.broadcast %add3A_9 : f32 to vector<1000x1xf32>
    %add3A_11 = arith.addf %add3A, %add3A_10 : vector<1000x1xf32>
    %rsqrt3A = math.rsqrt %add3A_11 : vector<1000x1xf32>
    %get3A_12 = arith.constant 0 : index
    %get3A_13 = arith.constant 0 : index
    %get3A_14 = vector.load %arg1[%get3A_12, %get3A_13] : memref<1000x128xf32, #tpu.memory_space<vmem>>, vector<1000x128xf32>
    %get3A_15 = arith.constant 0 : index
    %get3A_16 = arith.constant 0 : index
    %get3A_17 = vector.load %arg2[%get3A_15, %get3A_16] : memref<128x128xf32, #tpu.memory_space<vmem>>, vector<128x128xf32>
    %dot_general3A = arith.constant dense<0.000000e+00> : vector<1000x128xf32>
    %dot_general3A_18 = tpu.matmul %get3A_14, %get3A_17, %dot_general3A {dimension_numbers = #tpu.dot_dimension_numbers<[1], [0], [0], [1], [0, 0, 1, 1], [], []>, transpose_lhs_hint = false} : vector<1000x128xf32>, vector<128x128xf32>, vector<1000x128xf32> -> vector<1000x128xf32>
    %mul3A = vector.broadcast %rsqrt3A : vector<1000x1xf32> to vector<1000x128xf32>
    %mul3A_19 = arith.mulf %dot_general3A_18, %mul3A : vector<1000x128xf32>
    %swap3A = arith.constant 0 : index
    %swap3A_20 = arith.constant 0 : index
    %swap3A_21 = vector.load %arg4[%swap3A, %swap3A_20] : memref<1000x128xf32, #tpu.memory_space<vmem>>, vector<1000x128xf32>
    tpu.vector_store %arg4[%swap3A, %swap3A_20], %mul3A_19 {strides = array<i32>} : memref<1000x128xf32, #tpu.memory_space<vmem>>, vector<1000x128xf32>,
    return
  }
  func.func @transform_0(%arg0: i32) -> (i32, i32) {
    %c0_i32 = arith.constant 0 : i32
    %c0_i32_0 = arith.constant 0 : i32
    return %arg0, %c0_i32 : i32, i32
  }
  func.func @transform_1(%arg0: i32) -> (i32, i32) {
    %c0_i32 = arith.constant 0 : i32
    %c0_i32_0 = arith.constant 0 : i32
    %c0_i32_1 = arith.constant 0 : i32
    return %c0_i32, %c0_i32_0 : i32, i32
  }
  func.func @transform_2(%arg0: i32) -> (i32, i32, i32) {
    %c0_i32 = arith.constant 0 : i32
    %c0_i32_0 = arith.constant 0 : i32
    %c0_i32_1 = arith.constant 0 : i32
    return %c0_i32, %arg0, %c0_i32_0 : i32, i32, i32
  }
  func.func @transform_3(%arg0: i32) -> (i32, i32) {
    %c0_i32 = arith.constant 0 : i32
    %c0_i32_0 = arith.constant 0 : i32
    return %arg0, %c0_i32 : i32, i32
  }
}

module attributes {stable_mosaic.version = 14 : i64} {
  func.func @_tcb_body(%arg0: i32, %arg1: memref<2x1000x128xf32, #tpu.memory_space<vmem>>, %arg2: memref<1000x128xf32, #tpu.memory_space<vmem>>, %arg3: memref<2x1000x1xf32, #tpu.memory_space<vmem>>, %arg4: memref<1x128xf32, #tpu.memory_space<vmem>>, %arg5: memref<1000x128xf32, #tpu.memory_space<vmem>>) attributes {dimension_semantics = [#tpu.dimension_semantics<arbitrary>], iteration_bounds = array<i64: 10>, scalar_prefetch = 0 : i64, scratch_operands = 0 : i64, tpu.core_type = #tpu.core_type<tc>, window_params = [{transform_indices = @transform_0, window_bounds = array<i64: 2, 1000, 128>}, {transform_indices = @transform_1, window_bounds = array<i64: 1000, 128>}, {transform_indices = @transform_2, window_bounds = array<i64: 2, 1000, 1>}, {pipeline_mode = #tpu.pipeline_mode<synchronous>, transform_indices = @transform_3, window_bounds = array<i64: 1, 128>}, {transform_indices = @transform_4, window_bounds = array<i64: 1000, 128>}]} {
    %get3A = arith.constant 0 : index
    %get3A_0 = arith.constant 0 : index
    %get3A_1 = arith.constant 0 : index
    %get3A_2 = vector.load %arg3[%get3A, %get3A_0, %get3A_1] : memref<2x1000x1xf32, #tpu.memory_space<vmem>>, vector<1x1000x1xf32>
    %get3A_3 = vector.shape_cast %get3A_2 : vector<1x1000x1xf32> to vector<1000x1xf32>
    %get3A_4 = arith.constant 1 : index
    %get3A_5 = arith.constant 0 : index
    %get3A_6 = arith.constant 0 : index
    %get3A_7 = vector.load %arg3[%get3A_4, %get3A_5, %get3A_6] : memref<2x1000x1xf32, #tpu.memory_space<vmem>>, vector<1x1000x1xf32>
    %get3A_8 = vector.shape_cast %get3A_7 : vector<1x1000x1xf32> to vector<1000x1xf32>
    %add3A = arith.addf %get3A_3, %get3A_8 : vector<1000x1xf32>
    %add3A_9 = arith.constant 1.000000e+00 : f32
    %add3A_10 = vector.broadcast %add3A_9 : f32 to vector<1000x1xf32>
    %add3A_11 = arith.addf %add3A, %add3A_10 : vector<1000x1xf32>
    %rsqrt3A = math.rsqrt %add3A_11 : vector<1000x1xf32>
    %get3A_12 = arith.constant 0 : index
    %get3A_13 = arith.constant 0 : index
    %get3A_14 = arith.constant 0 : index
    %get3A_15 = vector.load %arg1[%get3A_12, %get3A_13, %get3A_14] : memref<2x1000x128xf32, #tpu.memory_space<vmem>>, vector<1x1000x128xf32>
    %get3A_16 = vector.shape_cast %get3A_15 : vector<1x1000x128xf32> to vector<1000x128xf32>
    %get3A_17 = arith.constant 1 : index
    %get3A_18 = arith.constant 0 : index
    %get3A_19 = arith.constant 0 : index
    %get3A_20 = vector.load %arg1[%get3A_17, %get3A_18, %get3A_19] : memref<2x1000x128xf32, #tpu.memory_space<vmem>>, vector<1x1000x128xf32>
    %get3A_21 = vector.shape_cast %get3A_20 : vector<1x1000x128xf32> to vector<1000x128xf32>
    %add3A_22 = arith.addf %get3A_16, %get3A_21 : vector<1000x128xf32>
    %get3A_23 = arith.constant 0 : index
    %get3A_24 = arith.constant 0 : index
    %get3A_25 = vector.load %arg2[%get3A_23, %get3A_24] : memref<1000x128xf32, #tpu.memory_space<vmem>>, vector<1000x128xf32>
    %add3A_26 = arith.addf %add3A_22, %get3A_25 : vector<1000x128xf32>
    %mul3A = vector.broadcast %rsqrt3A : vector<1000x1xf32> to vector<1000x128xf32>
    %mul3A_27 = arith.mulf %mul3A, %add3A_26 : vector<1000x128xf32>
    %get3A_28 = arith.constant 0 : index
    %get3A_29 = arith.constant 0 : index
    %get3A_30 = vector.load %arg4[%get3A_28, %get3A_29] : memref<1x128xf32, #tpu.memory_space<vmem>>, vector<1x128xf32>
    %add3A_31 = vector.broadcast %get3A_30 : vector<1x128xf32> to vector<1000x128xf32>
    %add3A_32 = arith.addf %mul3A_27, %add3A_31 : vector<1000x128xf32>
    %integer_pow3A = arith.mulf %add3A_32, %add3A_32 : vector<1000x128xf32>
    %integer_pow3A_33 = arith.mulf %add3A_32, %integer_pow3A : vector<1000x128xf32>
    %mul3A_34 = arith.constant 4.471500e-02 : f32
    %mul3A_35 = vector.broadcast %mul3A_34 : f32 to vector<1000x128xf32>
    %mul3A_36 = arith.mulf %mul3A_35, %integer_pow3A_33 : vector<1000x128xf32>
    %add3A_37 = arith.addf %add3A_32, %mul3A_36 : vector<1000x128xf32>
    %mul3A_38 = arith.constant 0.797884583 : f32
    %mul3A_39 = vector.broadcast %mul3A_38 : f32 to vector<1000x128xf32>
    %mul3A_40 = arith.mulf %mul3A_39, %add3A_37 : vector<1000x128xf32>
    %tanh3A = math.tanh %mul3A_40 : vector<1000x128xf32>
    %add3A_41 = arith.constant 1.000000e+00 : f32
    %add3A_42 = vector.broadcast %add3A_41 : f32 to vector<1000x128xf32>
    %add3A_43 = arith.addf %add3A_42, %tanh3A : vector<1000x128xf32>
    %mul3A_44 = arith.constant 5.000000e-01 : f32
    %mul3A_45 = vector.broadcast %mul3A_44 : f32 to vector<1000x128xf32>
    %mul3A_46 = arith.mulf %mul3A_45, %add3A_43 : vector<1000x128xf32>
    %mul3A_47 = arith.mulf %add3A_32, %mul3A_46 : vector<1000x128xf32>
    %swap3A = arith.constant 0 : index
    %swap3A_48 = arith.constant 0 : index
    %swap3A_49 = vector.load %arg5[%swap3A, %swap3A_48] : memref<1000x128xf32, #tpu.memory_space<vmem>>, vector<1000x128xf32>
    tpu.vector_store %arg5[%swap3A, %swap3A_48], %mul3A_47 {strides = array<i32>} : memref<1000x128xf32, #tpu.memory_space<vmem>>, vector<1000x128xf32>,
    return
  }
  func.func @transform_0(%arg0: i32) -> (i32, i32, i32) {
    %c0_i32 = arith.constant 0 : i32
    %c0_i32_0 = arith.constant 0 : i32
    %c0_i32_1 = arith.constant 0 : i32
    return %c0_i32, %arg0, %c0_i32_0 : i32, i32, i32
  }
  func.func @transform_1(%arg0: i32) -> (i32, i32) {
    %c0_i32 = arith.constant 0 : i32
    %c0_i32_0 = arith.constant 0 : i32
    return %arg0, %c0_i32 : i32, i32
  }
  func.func @transform_2(%arg0: i32) -> (i32, i32, i32) {
    %c0_i32 = arith.constant 0 : i32
    %c0_i32_0 = arith.constant 0 : i32
    %c0_i32_1 = arith.constant 0 : i32
    return %c0_i32, %arg0, %c0_i32_0 : i32, i32, i32
  }
  func.func @transform_3(%arg0: i32) -> (i32, i32) {
    %c0_i32 = arith.constant 0 : i32
    %c0_i32_0 = arith.constant 0 : i32
    %c0_i32_1 = arith.constant 0 : i32
    return %c0_i32, %c0_i32_0 : i32, i32
  }
  func.func @transform_4(%arg0: i32) -> (i32, i32) {
    %c0_i32 = arith.constant 0 : i32
    %c0_i32_0 = arith.constant 0 : i32
    return %arg0, %c0_i32 : i32, i32
  }
}

</mosaic_0001>

<sc_bundles>
// kernel: kernel.6.cloned.1.call-start
scs
__scs_entry_jumppad:
0x0: {  	(pc) =	sbr.rel $0x88, $3  }
0x1: {  	(tag) =	ssettag $0x0;
	lr =	simm.s32 $0x1  }
0x2: {  	[smem:$0x3F9D] =	sst lr;
	_ =	strace $0xD0000000  }
0x3: {  	_ = 	snop  }
0x4: {  	_ = 	snop  }
0x5: {  	_ = 	snop  }
0x6: {  	_ = 	snop  }
0x7: {  	_ = 	snop  }
__scs_overlays_trampoline_lowered:
0x8: {  	[smem:$0x3FAC] =	sst s0  }
0x9: {  	[smem:$0x3FAD] =	sst s1  }
0xa: {  	[smem:$0x3FAE] =	sst s2  }
0xb: {  	[smem:$0x3FAF] =	sst s3  }
0xc: {  	[smem:$0x3FB0] =	sst s4  }
0xd: {  	[smem:$0x3FB1] =	sst s5  }
0xe: {  	[smem:$0x3FB2] =	sst s6  }
0xf: {  	[smem:$0x3FB3] =	sst s7  }
0x10: {  	[smem:$0x3FB4] =	sst s8  }
0x11: {  	[smem:$0x3FB5] =	sst s9;
	s0 =	simm.s32 @!p0 $0x0  }
0x12: {  	s1 =	sld [smem:$0x3F9B];
	s0 =	simm.s32 @p0 $0x1  }
0x13: {  	[smem:$0x3FB6] =	sst s0;
	s0 =	simm.s32 @!p1 $0x0  }
0x14: {  	s2 =	sld [smem:$0x3F9A];
	s0 =	simm.s32 @p1 $0x1  }
0x15: {  	[smem:$0x3FB7] =	sst s0;
	s0 =	simm.s32 @!p2 $0x0  }
0x16: {  	s3 =	sld [smem:$0x3FDB];
	s0 =	simm.s32 @p2 $0x1  }
0x17: {  	s4 =	simm.s32 $0x1BF5;
	[smem:$0x3FB9] =	sst s0  }
0x18: {  	s0 =	sld [smem:$0x3F9C];
	_ =	swait.ge [sflag:s4], $0x0  }
0x19: {  	s7 =	sld [smem:$0x3F9D]  }
0x1a: {  	s8 =	sadd.s32 $0xFFFFE003, lr  }
0x1b: {  	s9 =	sadd.s32 $0xFFFFFEF7, lr;
	s5 =	simm.s32 $0xFFFFFFFF;
	p2 =	slt.u32 s8, $0xFFFFF086  }
0x1c: {  	p1 =	slt.u32 s9, $0xF7A;
	s5 =	simm.s32 @!p2 $0x0  }
0x1d: {  	s5 =	simm.s32 @p1 $0x1;
	p0 =	seq.s32 s7, s2  }
0x1e: {  	s7 =	smul.u32 @!p0 $0xF7A, s2;
	p2 =	seq.s32 @!p0 s5, $0x0  }
0x1f: {  	s9 =	smul.u32 $0xF7A, s1;
	s8 =	simm.s32 @!p0 $0x1BF5;
	p2 =	por !p2, p0  }
0x20: {  	[sflag:s8] =	ssyncset.s32 @!p0 $0xFFFFF086;
	s6 =	sadd.s32 @!p0 s3, s7;
	s7 =	simm.s32 @!p0 $0x108  }
0x21: {  	s3 =	sadd.s32 s3, s9;
	s6 =	sadd.s32 @!p0 $0x88, s6;
	s7 =	simm.s32 @p2 $0x1082  }
0x22: {  	[simem:s7], [sflag:s8] =	dma.local @!p0 [hbm:s6], $0xF7A  }
0x23: {  	s9 =	sor.u32 $0xD0000000, s2;
	s6 =	simm.s32 $0x108;
	_ =	swait.ge @!p0 [sflag:s8], $0x0  }
0x24: {  	s3 =	sadd.s32 $0x88, s3;
	s6 =	simm.s32 @!p1 $0x1082;
	[sflag:s4] =	ssyncset.s32 $0xFFFFF086  }
0x25: {  	[simem:s6], [sflag:s4] =	dma.local [hbm:s3], $0xF7A  }
0x26: {  	[smem:$0x3F9D] =	sst s1;
	(tag) =	ssettag s2;
	_ =	strace s9  }
0x27: {  	s1 =	sld [smem:$0x3FAD]  }
0x28: {  	s2 =	sld [smem:$0x3FAE]  }
0x29: {  	s4 =	sld [smem:$0x3FB0]  }
0x2a: {  	p0 =	seq.s32 s5, $0x0;
	s5 =	sld [smem:$0x3FB1]  }
0x2b: {  	s6 =	sld [smem:$0x3FB2]  }
0x2c: {  	s7 =	sld [smem:$0x3FB3]  }
0x2d: {  	s3 =	simm.s32 $0x108;
	s8 =	sld [smem:$0x3FB4]  }
0x2e: {  	s3 =	simm.s32 @!p0 $0x1082;
	s9 =	sld [smem:$0x3FB5]  }
0x2f: {  	lr =	sadd.s32 s0, s3;
	s0 =	sld [smem:$0x3FAC]  }
0x30: {  	s3 =	sld [smem:$0x3FAF]  }
0x31: {  	[smem:$0x3FB8] =	sst s10  }
0x32: {  	s10 =	sld [smem:$0x3FB6];
	_ =	sdelay $0x3  }
0x33: {  	p0 =	seq.s32 s10, $0x1;
	s10 =	sld [smem:$0x3FB8];
	_ =	sdelay $0x3  }
0x34: {  	[smem:$0x3FB8] =	sst s10  }
0x35: {  	s10 =	sld [smem:$0x3FB7];
	_ =	sdelay $0x3  }
0x36: {  	p1 =	seq.s32 s10, $0x1;
	s10 =	sld [smem:$0x3FB8];
	_ =	sdelay $0x3  }
0x37: {  	[smem:$0x3FB8] =	sst s10  }
0x38: {  	s10 =	sld [smem:$0x3FB9]  }
0x39: {  	_ = 	snop;
	(pc) =	sbr.ind lr, $3  }
0x3a: {  	_ = 	snop  }
0x3b: {  	_ = 	snop  }
0x3c: {  	p2 =	seq.s32 s10, $0x1;
	s10 =	sld [smem:$0x3FB8]  }
0x3d: {  	_ =	shalt  }
0x3e: {  	_ =	shalt  }
0x3f: {  	_ =	shalt  }
0x40: {  	_ =	shalt  }
0x41: {  	_ =	shalt  }
0x42: {  	_ =	shalt  }
0x43: {  	_ =	shalt  }
0x44: {  	_ =	shalt  }
0x45: {  	_ =	shalt  }
0x46: {  	_ =	shalt  }
0x47: {  	_ =	shalt  }
0x48: {  	_ =	shalt  }
0x49: {  	_ =	shalt  }
0x4a: {  	_ =	shalt  }
0x4b: {  	_ =	shalt  }
0x4c: {  	_ =	shalt  }
0x4d: {  	_ =	shalt  }
0x4e: {  	_ =	shalt  }
0x4f: {  	_ =	shalt  }
0x50: {  	_ =	shalt  }
0x51: {  	_ =	shalt  }
0x52: {  	_ =	shalt  }
0x53: {  	_ =	shalt  }
0x54: {  	_ =	shalt  }
0x55: {  	_ =	shalt  }
0x56: {  	_ =	shalt  }
0x57: {  	_ =	shalt  }
0x58: {  	_ =	shalt  }
0x59: {  	_ =	shalt  }
0x5a: {  	_ =	shalt  }
0x5b: {  	_ =	shalt  }
0x5c: {  	_ =	shalt  }
0x5d: {  	_ =	shalt  }
0x5e: {  	_ =	shalt  }
0x5f: {  	_ =	shalt  }
0x60: {  	_ =	shalt  }
0x61: {  	_ =	shalt  }
0x62: {  	_ =	shalt  }
0x63: {  	_ =	shalt  }
0x64: {  	_ =	shalt  }
0x65: {  	_ =	shalt  }
0x66: {  	_ =	shalt  }
0x67: {  	_ =	shalt  }
0x68: {  	_ =	shalt  }
0x69: {  	_ =	shalt  }
0x6a: {  	_ =	shalt  }
0x6b: {  	_ =	shalt  }
0x6c: {  	_ =	shalt  }
0x6d: {  	_ =	shalt  }
0x6e: {  	_ =	shalt  }
0x6f: {  	_ =	shalt  }
0x70: {  	_ =	shalt  }
0x71: {  	_ =	shalt  }
0x72: {  	_ =	shalt  }
0x73: {  	_ =	shalt  }
0x74: {  	_ =	shalt  }
0x75: {  	_ =	shalt  }
0x76: {  	_ =	shalt  }
0x77: {  	_ =	shalt  }
0x78: {  	_ =	shalt  }
0x79: {  	_ =	shalt  }
0x7a: {  	_ =	shalt  }
0x7b: {  	_ =	shalt  }
0x7c: {  	_ =	shalt  }
0x7d: {  	_ =	shalt  }
0x7e: {  	_ =	shalt  }
0x7f: {  	_ =	shalt  }
0x80: {  	_ =	shalt  }
0x81: {  	_ =	shalt  }
0x82: {  	_ =	shalt  }
0x83: {  	_ =	shalt  }
0x84: {  	_ =	shalt  }
0x85: {  	_ =	shalt  }
0x86: {  	_ =	shalt  }
0x87: {  	_ =	shalt  }
.Lfunc_end0:
.L_simem_size_0:
called_computation_lowered:
.L_overlay_start_0:
0x88: {  	s2 =	sld [smem:$0x3FD9]  }
0x89: {  	s3 =	sld [smem:$0x3FFE];
	_ =	sdelay $0x1  }
0x8a: {  	s1 =	srdreg.scid  }
0x8b: {  	s0 =	sand.u32 $0x1, s1  }
0x8c: {  	s17 =	sshll.u32 s0, $0xA;
	s2 =	sadd.s32 s3, s2  }
0x8d: {  	s2 =	sadd.s32 s2, s17  }
0x8e: {  	[smem:$0x3FC4] =	sst s2  }
0x8f: {  	_ = 	snop  }
0x90: {  	s2 =	sld [smem:$0x3FD0];
	(tm) =	ssettm $0x1  }
0x91: {  	s18 =	sld [smem:$0x3FFB];
	_ =	sdelay $0x3  }
0x92: {  	_ =	strace s18  }
0x93: {  	s3 =	sld [smem:$0x3FFC];
	_ =	sdelay $0x3  }
0x94: {  	_ =	strace s3  }
0x95: {  	s3 =	sld [smem:$0x3FFD];
	_ =	sdelay $0x3  }
0x96: {  	_ =	strace s3  }
0x97: {  	_ =	strace $0x8FFFFFFF  }
0x98: {  	s19 =	sld [smem:$0x3FDB];
	_ =	sdelay $0x1  }
0x99: {  	s4 =	simm.s32 $_scs_section_size  }
0x9a: {  	s5 =	simm.s32 $_size__tile_overlayer_lowered;
	s6 =	simm.s32 $_tile_overlayer_lowered  }
0x9b: {  	s22 =	simm.s32 $0x1BFF;
	s21 =	sshll.u32 s6, $0x1;
	s3 =	sadd.s32 s4, s19  }
0x9c: {  	s7 =	simm.s32 $0x0;
	s20 =	sshll.u32 s5, $0x1;
	s5 =	sadd.s32 s21, s3  }
0x9d: {  	[timem:s7], [sflag:s22] =	dma.local [hbm:s5], s20  }
0x9e: {  	_ =	swait.ge [sflag:s22], s20  }
0x9f: {  	s4 =	ssub.s32 $0x0, s20;
	[sflag:s22] =	ssyncset.done $0x0  }
0xa0: {  	[sflag:s22] =	ssyncadd.s32 s4;
	_ =	sdelay $0x1  }
0xa1: {  	s23 =	simm.s32 $0x1B8B  }
0xa2: {  	_ =	swait.ge [sflag:s23], $0x1  }
0xa3: {  	[sflag:s23] =	ssyncset.done $0x0  }
0xa4: {  	s25 =	simm.s32 $0x1B8E;
	s24 =	sld [smem:$0x3FFE];
	[sflag:s23] =	ssyncadd.s32 $0xFFFFFFFF  }
0xa5: {  	s26 =	simm.s32 $execute0_lowered;
	[smem:$0x3FD2] =	sst s25  }
0xa6: {  	s5 =	sshll.u32 s26, $0x1;
	_ =	strace $0x80000046;
	[dreg:$0x1] =	wrdreg $0xFFFFFFFF  }
0xa7: {  	s28 =	simm.s32 $_size_execute0_lowered;
	s3 =	sadd.s32 s3, s5;
	[dreg:$0x0] =	wrdreg $0x0  }
0xa8: {  	s5 =	sshll.u32 s28, $0x1;
	[dreg:$0x2] =	wrdreg s3  }
0xa9: {  	[dreg:$0x3] =	wrdreg s5  }
0xaa: {  	[dreg:$0x4] =	wrdreg $0xC0  }
0xab: {  	_ =	task [dreg:s7], $0x5FFFF  }
0xac: {  	[dreg:$0x1] =	wrdreg $0xFFFFFFFF  }
0xad: {  	[dreg:$0x0] =	wrdreg $0x60  }
0xae: {  	[dreg:$0x2] =	wrdreg s2  }
0xaf: {  	[dreg:$0x3] =	wrdreg s24  }
0xb0: {  	[dreg:$0x4] =	wrdreg $0x7A800  }
0xb1: {  	[dreg:$0x5] =	wrdreg $0x9  }
0xb2: {  	_ =	task.clear_ibuf [dreg:s7], $0x6FFFF;
	_ =	strace $0x90000046  }
0xb3: {  	s29 =	simm.s32 $0x9;
	_ =	strace $0x80000048  }
0xb4: {  	_ =	swait.ge [sflag:s29], $0x1  }
0xb5: {  	[sflag:s29] =	ssyncadd.s32 $0xFFFFFFFF  }
0xb6: {  	_ =	strace $0x90000048  }
0xb7: {  	_ =	sfence  }
0xb8: {  	s30 =	sld [smem:$0x0];
	_ =	sdelay $0x2  }
0xb9: {  	s31 =	sshll.u32 s1, $0xD;
	s1 =	sshrl.u32 s1, $0x2  }
0xba: {  	s3 =	sand.u32 $0x4000, s31;
	s1 =	sadd.s32 s1, s30  }
0xbb: {  	s0 =	sor.u32 s3, s0;
	s1 =	sshll.u32 s1, $0x11  }
0xbc: {  	s0 =	sor.u32 s1, s0  }
0xbd: {  	s0 =	sadd.s32 $0x8F2B, s0  }
0xbe: {  	[sflag:s0] =	ssyncadd.remote.s32 $0x1  }
0xbf: {  	_ =	sfence.sel $0xFFFF  }
0xc0: {  	[dreg:$0x0] =	wrdreg $0xFFFFFFFF;
	(pc) =	sbr.abs _section_cstart, $3  }
0xc1: {  	[dreg:$0x1] =	wrdreg $0xFFFFFFFF  }
0xc2: {  	_ =	task.clear_ibuf [dreg:s7], $0x2FFFF;
	_ =	strace $0x9FFFFFFF  }
0xc3: {  	(tm) =	ssettm $0x7FFFFFFF  }
tec
execute0_lowered:
.L_overlay_start_1:
0x0: {  	(tag) =	ssettag $0x1  }
0x1: {  	s3 =	rddreg [dreg:$0x0]  }
0x2: {  	s4 =	rddreg [dreg:$0x1];
	s1 =	srdreg.scid  }
0x3: {  	s0 =	stileid.u32;
	s5 =	rddreg [dreg:$0x2]  }
0x4: {  	s2 =	simm.s32 $0x0;
	s11 =	simm.s32 $0x400;
	s12 =	simm.s32 $0x1400  }
0x5: {  	s13 =	simm.s32 $0x14000;
	s14 =	simm.s32 $0x5000;
	s15 =	simm.s32 $0x100  }
0x6: {  	s16 =	simm.s32 $0x7800;
	s6 =	sand.u32 $0x1, s1;
	s1 =	rddreg [dreg:$0x3]  }
0x7: {  	s17 =	simm.s32 $0x0;
	s7 =	smul.u32 $0x500, s0;
	[smem:$0x7FF] =	sst s2  }
0x8: {  	s29 =	sshrl.u32 s0, $0x3;
	s31 =	smul.u32 $0x5000, s0;
	s10 =	sshll.u32 s0, $0x7  }
0x9: {  	s8 =	sshll.u32 s6, $0x7;
	_ =	strace $0x80000047;
	s28 =	ssub.s32 $0x2, s6  }
0xa: {  	s6 =	sshll.u32 s6, $0x4;
	s10 =	sand.u32 $0x380, s10;
	s7 =	sor.u32 s8, s7  }
0xb: {  	s9 =	sshrl.u32 s28, $0x1;
	s8 =	smul.u32 $0x50000, s29;
	s30 =	sor.u32 s0, s6  }
0xc: {  	s6 =	sshrl.u32 s31, $0x2;
	s7 =	sshrl.u32 s7, $0x3;
	s9 =	ssub.s32 s28, s9  }
0xd: {  	s7 =	sadd.s32 s7, s4;
	s4 =	smul.u32 $0x500, s30;
	s8 =	sshrl.u32 s8, $0x2  }
0xe: {  	s8 =	sadd.s32 s8, s5;
	s5 =	sadd.s32 s6, s5;
	s6 =	sadd.s32 $0x1200, s7  }
0xf: {  	s7 =	smax.u32 s9, $0x1;
	s9 =	simm.s32 $0x2800;
	s3 =	sadd.s32 s3, s4  }
0x10: {  	v0 =	vimm.f32 $0.0e+00;
	v1 =	vimm.f32 $1.000000000e+00;
	s4 =	sadd.s32 s10, s8;
	s8 =	simm.s32 $0x1;
	s10 =	simm.s32 $0x80  }
.LBB2_1:
0x11: {  	[tilespmem:s2], [sflag:$0x1] =	stream.linear.gather [hbm4b:s3+s2], $0x2800, $0x38;
	[tilespmem:$0xA280] =	vst v63  }
0x12: {  	_ =	swait.ge [sflag:s8], $0x2800  }
0x13: {  	[sflag:s8] =	ssyncset.done $0x0  }
0x14: {  	s18 =	simm.s32 $0x0;
	[sflag:s8] =	ssyncadd.s32 $0xFFFFD800  }
.LBB2_2:
0x15: {  	p0 =	sne.s32 s18, $0x9FC0  }
.Ltmp0:
0x16: {  	_ = 	snop;
	(pc) =	sbr.rel @p0 .LBB2_2-.Ltmp0, $3  }
0x17: {  	_ =	sdelay $0x1  }
0x18: {  	s19 =	sshra.s32 s18, $0x2  }
0x19: {  	s18 =	sadd.s32 $0x40, s18;
	[tilespmem:s19+$0x2800] =	vst v0  }
0x1a: {  	s19 =	simm.s32 $0x0;
	s18 =	simm.s32 $0x40  }
.LBB2_4:
0x1b: {  	p0 =	sne.s32 s18, $0x9FC0;
	v2 =	vld [tilespmem:s19+$0x0];
	_ =	sdelay $0x3  }
.Ltmp1:
0x1c: {  	(pc) =	sbr.rel @p0 .LBB2_4-.Ltmp1, $2  }
0x1d: {  	_ =	sdelay $0x2  }
0x1e: {  	s19 =	sshra.s32 s18, $0x2;
	s18 =	sadd.s32 $0x40, s18;
	[tilespmem:v2+s9+$0x0] =	vst.idx.add.f32.msk $0xffff, v1  }
0x1f: {  	v2 =	vld [tilespmem:s19+$0x0];
	_ =	sdelay $0x7  }
0x20: {  	[tilespmem:v2+s9+$0x0] =	vst.idx.add.f32.msk $0xffff, v1  }
0x21: {  	[spmem:s4] =	stream.strided.scatter [tilespmem:s9], [sflag:$0x1], $0x2800, s11, s10, $0x38;
	[tilespmem:$0xA280] =	vst v63  }
0x22: {  	_ =	swait.ge [sflag:s8], $0x2800  }
0x23: {  	[sflag:s8] =	ssyncset.done $0x0  }
0x24: {  	[sflag:s8] =	ssyncadd.s32 $0xFFFFD800  }
0x25: {  	[bflag:$0x0] =	sbarrier.arrive $0xFFFF  }
0x26: {  	[tilespmem:s14], [sflag:$0x1] =	stream.strided.gather [spmem:s5], $0x2800, s13, s12, $0x38;
	[tilespmem:$0xA280] =	vst v63  }
0x27: {  	s18 =	simm.s32 $0x0;
	_ =	swait.ge [sflag:s8], $0x2800  }
0x28: {  	s30 =	sand.u32 $0x70, s18;
	s18 =	sand.u32 $0x1C00, s18;
	[sflag:s8] =	ssyncset.done $0x0  }
0x29: {  	s18 =	sor.u32 s30, s18;
	[sflag:s8] =	ssyncadd.s32 $0xFFFFD800  }
0x2a: {  	v2 =	vld [tilespmem:s18+$0x5080]  }
0x2b: {  	v3 =	vld [tilespmem:s18+$0x5000];
	_ =	sdelay $0x1  }
0x2c: {  	v4 =	vld [tilespmem:s18+$0x5100];
	_ =	sdelay $0x1  }
0x2d: {  	v5 =	vld [tilespmem:s18+$0x5180]  }
0x2e: {  	v2 =	vadd.f32 v2, v3  }
0x2f: {  	v3 =	vld [tilespmem:s18+$0x5200]  }
0x30: {  	v2 =	vadd.f32 v4, v2  }
0x31: {  	v56 =	vld [tilespmem:s18+$0x5280]  }
0x32: {  	v2 =	vadd.f32 v5, v2  }
0x33: {  	v57 =	vld [tilespmem:s18+$0x5300]  }
0x34: {  	v2 =	vadd.f32 v3, v2  }
0x35: {  	v3 =	vld [tilespmem:s18+$0x5380]  }
0x36: {  	v2 =	vadd.f32 v56, v2  }
0x37: {  	v58 =	vld [tilespmem:s18+$0x6400]  }
0x38: {  	v2 =	vadd.f32 v57, v2  }
0x39: {  	v59 =	vld [tilespmem:s18+$0x6480]  }
0x3a: {  	v2 =	vadd.f32 v3, v2  }
0x3b: {  	v3 =	vld [tilespmem:s18+$0x6500]  }
0x3c: {  	v2 =	vadd.f32 v58, v2  }
0x3d: {  	v60 =	vld [tilespmem:s18+$0x6580]  }
0x3e: {  	v2 =	vadd.f32 v59, v2  }
0x3f: {  	v61 =	vld [tilespmem:s18+$0x6600]  }
0x40: {  	v2 =	vadd.f32 v3, v2  }
0x41: {  	v3 =	vld [tilespmem:s18+$0x6680]  }
0x42: {  	v2 =	vadd.f32 v60, v2  }
0x43: {  	v62 =	vld [tilespmem:s18+$0x6700]  }
0x44: {  	v2 =	vadd.f32 v61, v2  }
0x45: {  	v63 =	vld [tilespmem:s18+$0x6780]  }
0x46: {  	v2 =	vadd.f32 v3, v2;
	_ =	sdelay $0x1  }
0x47: {  	v2 =	vadd.f32 v62, v2;
	_ =	sdelay $0x1  }
0x48: {  	s31 =	simm.s32 $0x10;
	s20 =	simm.s32 $0x80;
	v2 =	vadd.f32 v63, v2  }
0x49: {  	s19 =	sand.u32 $0x70, s31;
	s21 =	sand.u32 $0x1C00, s20;
	s18 =	simm.s32 $0x7800  }
0x4a: {  	s19 =	sor.u32 s19, s21;
	s21 =	simm.s32 $0x20;
	[tilespmem:s18+$0x0] =	vst v2  }
.LBB2_6:
0x4b: {  	p0 =	sne.s32 s21, $0x270;
	v2 =	vld [tilespmem:s19+$0x5080]  }
0x4c: {  	v3 =	vld [tilespmem:s19+$0x5000];
	_ =	sdelay $0x1  }
0x4d: {  	v4 =	vld [tilespmem:s19+$0x5100];
	_ =	sdelay $0x1  }
0x4e: {  	v5 =	vld [tilespmem:s19+$0x5180]  }
0x4f: {  	v2 =	vadd.f32 v2, v3  }
0x50: {  	v3 =	vld [tilespmem:s19+$0x5200]  }
0x51: {  	v2 =	vadd.f32 v4, v2  }
0x52: {  	v4 =	vld [tilespmem:s19+$0x5280]  }
0x53: {  	v2 =	vadd.f32 v5, v2  }
0x54: {  	v5 =	vld [tilespmem:s19+$0x5300]  }
0x55: {  	v2 =	vadd.f32 v3, v2  }
0x56: {  	v3 =	vld [tilespmem:s19+$0x5380]  }
0x57: {  	v2 =	vadd.f32 v4, v2  }
0x58: {  	v4 =	vld [tilespmem:s19+$0x6400]  }
0x59: {  	v2 =	vadd.f32 v5, v2  }
0x5a: {  	v5 =	vld [tilespmem:s19+$0x6480]  }
0x5b: {  	v2 =	vadd.f32 v3, v2  }
0x5c: {  	v3 =	vld [tilespmem:s19+$0x6500]  }
0x5d: {  	v2 =	vadd.f32 v4, v2  }
0x5e: {  	v4 =	vld [tilespmem:s19+$0x6580]  }
0x5f: {  	v2 =	vadd.f32 v5, v2  }
0x60: {  	v5 =	vld [tilespmem:s19+$0x6600]  }
0x61: {  	v2 =	vadd.f32 v3, v2  }
0x62: {  	v3 =	vld [tilespmem:s19+$0x6680]  }
0x63: {  	v2 =	vadd.f32 v4, v2  }
0x64: {  	v4 =	vld [tilespmem:s19+$0x6700]  }
0x65: {  	v2 =	vadd.f32 v5, v2  }
0x66: {  	v5 =	vld [tilespmem:s19+$0x6780]  }
0x67: {  	v2 =	vadd.f32 v3, v2;
	_ =	sdelay $0x1  }
.Ltmp2:
0x68: {  	v2 =	vadd.f32 v4, v2;
	(pc) =	sbr.rel @p0 .LBB2_6-.Ltmp2, $4  }
0x69: {  	_ = 	snop  }
0x6a: {  	s20 =	sadd.s32 $0x80, s20;
	v2 =	vadd.f32 v5, v2  }
0x6b: {  	s18 =	sadd.s32 $0x10, s18;
	s22 =	sand.u32 $0x1C00, s20;
	s19 =	sand.u32 $0x70, s21  }
0x6c: {  	s21 =	sadd.s32 $0x10, s21;
	s19 =	sor.u32 s19, s22;
	[tilespmem:s18+$0x0] =	vst v2  }
0x6d: {  	v2 =	vld [tilespmem:s19+$0x5080]  }
0x6e: {  	v3 =	vld [tilespmem:s19+$0x5000];
	_ =	sdelay $0x1  }
0x6f: {  	v4 =	vld [tilespmem:s19+$0x5100];
	_ =	sdelay $0x1  }
0x70: {  	v5 =	vld [tilespmem:s19+$0x5180]  }
0x71: {  	v2 =	vadd.f32 v2, v3  }
0x72: {  	v3 =	vld [tilespmem:s19+$0x5200]  }
0x73: {  	v2 =	vadd.f32 v4, v2  }
0x74: {  	v56 =	vld [tilespmem:s19+$0x5280]  }
0x75: {  	v2 =	vadd.f32 v5, v2  }
0x76: {  	v57 =	vld [tilespmem:s19+$0x5300]  }
0x77: {  	v2 =	vadd.f32 v3, v2  }
0x78: {  	v3 =	vld [tilespmem:s19+$0x5380]  }
0x79: {  	v2 =	vadd.f32 v56, v2  }
0x7a: {  	v58 =	vld [tilespmem:s19+$0x6400]  }
0x7b: {  	v2 =	vadd.f32 v57, v2  }
0x7c: {  	v59 =	vld [tilespmem:s19+$0x6480]  }
0x7d: {  	v2 =	vadd.f32 v3, v2  }
0x7e: {  	v3 =	vld [tilespmem:s19+$0x6500]  }
0x7f: {  	v2 =	vadd.f32 v58, v2  }
0x80: {  	v60 =	vld [tilespmem:s19+$0x6580]  }
0x81: {  	v2 =	vadd.f32 v59, v2  }
0x82: {  	v61 =	vld [tilespmem:s19+$0x6600]  }
0x83: {  	v2 =	vadd.f32 v3, v2  }
0x84: {  	v3 =	vld [tilespmem:s19+$0x6680]  }
0x85: {  	v2 =	vadd.f32 v60, v2  }
0x86: {  	v62 =	vld [tilespmem:s19+$0x6700]  }
0x87: {  	v2 =	vadd.f32 v61, v2  }
0x88: {  	v63 =	vld [tilespmem:s19+$0x6780]  }
0x89: {  	v2 =	vadd.f32 v3, v2;
	_ =	sdelay $0x1  }
0x8a: {  	v2 =	vadd.f32 v62, v2;
	_ =	sdelay $0x1  }
0x8b: {  	s17 =	sadd.s32 $0x1, s17;
	v2 =	vadd.f32 v63, v2  }
0x8c: {  	s18 =	sadd.s32 $0x10, s18;
	p0 =	sne.s32 s17, s7  }
.Ltmp3:
0x8d: {  	[tilespmem:s18+$0x0] =	vst v2;
	(pc) =	sbr.rel @p0 .LBB2_1-.Ltmp3, $4  }
0x8e: {  	[hbm4b:s6+s10] =	stream.strided.scatter [tilespmem:s16], [sflag:$0x1], $0x280, s15, s10, $0x38;
	[tilespmem:$0xA280] =	vst v63  }
0x8f: {  	_ =	swait.ge [sflag:s8], $0x280  }
0x90: {  	[sflag:s8] =	ssyncset.done $0x0  }
0x91: {  	[sflag:s8] =	ssyncadd.s32 $0xFFFFFD80  }
0x92: {  	_ =	sfence.sel $0x180000  }
0x93: {  	[bflag:$0x0] =	sbarrier.arrive $0xFFFF  }
0x94: {  	p0 =	sne.s32 s0, $0x0;
	_ =	strace $0x90000047  }
0x95: {  	s0 =	sadd.s32 @!p0 $0x100000, s1;
	[bflag:$0x2] =	sbarrier.arrive $0xFFFF  }
0x96: {  	[sflag:s0] =	ssyncadd.tile.s32 @!p0 $0x1;
	_ =	shalt  }
.Lfunc_end2:
_tile_overlayer_lowered:
.L_overlay_start_2:
0x97: {  	(tag) =	ssettag $0x2  }
0x98: {  	s0 =	rddreg [dreg:$0x0];
	s2 =	stileid.u32  }
0x99: {  	s1 =	rddreg [dreg:$0x1];
	p0 =	sne.s32 s2, $0x0  }
0x9a: {  	s3 =	rddreg [dreg:$0x2];
	[bflag:$0x3] =	sbarrier.arrive $0xFFFF;
	s2 =	simm.s32 @!p0 $0x1C01  }
0x9b: {  	[timem:s3], [sflag:s2] =	dma.local @!p0 [hbm:s0], s1  }
0x9c: {  	s0 =	simm.s32 @!p0 $0x1  }
0x9d: {  	_ =	swait.ge @!p0 [sflag:s0], s1  }
0x9e: {  	s1 =	ssub.s32 @!p0 $0x0, s1;
	[sflag:s0] =	ssyncset.done @!p0 $0x0  }
0x9f: {  	[sflag:s0] =	ssyncadd.s32 @!p0 s1  }
0xa0: {  	[bflag:$0x3] =	sbarrier.arrive $0xFFFF  }
0xa1: {  	_ =	shalt  }

// kernel: kernel.9.cloned.1.call-start
scs
__scs_entry_jumppad:
0x0: {  	(pc) =	sbr.rel $0x88, $3  }
0x1: {  	(tag) =	ssettag $0x0;
	lr =	simm.s32 $0x1  }
0x2: {  	[smem:$0x3F9D] =	sst lr;
	_ =	strace $0xD0000000  }
0x3: {  	_ = 	snop  }
0x4: {  	_ = 	snop  }
0x5: {  	_ = 	snop  }
0x6: {  	_ = 	snop  }
0x7: {  	_ = 	snop  }
__scs_overlays_trampoline_lowered:
0x8: {  	[smem:$0x3FAC] =	sst s0  }
0x9: {  	[smem:$0x3FAD] =	sst s1  }
0xa: {  	[smem:$0x3FAE] =	sst s2  }
0xb: {  	[smem:$0x3FAF] =	sst s3  }
0xc: {  	[smem:$0x3FB0] =	sst s4  }
0xd: {  	[smem:$0x3FB1] =	sst s5  }
0xe: {  	[smem:$0x3FB2] =	sst s6  }
0xf: {  	[smem:$0x3FB3] =	sst s7  }
0x10: {  	[smem:$0x3FB4] =	sst s8  }
0x11: {  	[smem:$0x3FB5] =	sst s9;
	s0 =	simm.s32 @!p0 $0x0  }
0x12: {  	s1 =	sld [smem:$0x3F9B];
	s0 =	simm.s32 @p0 $0x1  }
0x13: {  	[smem:$0x3FB6] =	sst s0;
	s0 =	simm.s32 @!p1 $0x0  }
0x14: {  	s2 =	sld [smem:$0x3F9A];
	s0 =	simm.s32 @p1 $0x1  }
0x15: {  	[smem:$0x3FB7] =	sst s0;
	s0 =	simm.s32 @!p2 $0x0  }
0x16: {  	s3 =	sld [smem:$0x3FDB];
	s0 =	simm.s32 @p2 $0x1  }
0x17: {  	s4 =	simm.s32 $0x1BF5;
	[smem:$0x3FB9] =	sst s0  }
0x18: {  	s0 =	sld [smem:$0x3F9C];
	_ =	swait.ge [sflag:s4], $0x0  }
0x19: {  	s7 =	sld [smem:$0x3F9D]  }
0x1a: {  	s8 =	sadd.s32 $0xFFFFE003, lr  }
0x1b: {  	s9 =	sadd.s32 $0xFFFFFEF7, lr;
	s5 =	simm.s32 $0xFFFFFFFF;
	p2 =	slt.u32 s8, $0xFFFFF086  }
0x1c: {  	p1 =	slt.u32 s9, $0xF7A;
	s5 =	simm.s32 @!p2 $0x0  }
0x1d: {  	s5 =	simm.s32 @p1 $0x1;
	p0 =	seq.s32 s7, s2  }
0x1e: {  	s7 =	smul.u32 @!p0 $0xF7A, s2;
	p2 =	seq.s32 @!p0 s5, $0x0  }
0x1f: {  	s9 =	smul.u32 $0xF7A, s1;
	s8 =	simm.s32 @!p0 $0x1BF5;
	p2 =	por !p2, p0  }
0x20: {  	[sflag:s8] =	ssyncset.s32 @!p0 $0xFFFFF086;
	s6 =	sadd.s32 @!p0 s3, s7;
	s7 =	simm.s32 @!p0 $0x108  }
0x21: {  	s3 =	sadd.s32 s3, s9;
	s6 =	sadd.s32 @!p0 $0x88, s6;
	s7 =	simm.s32 @p2 $0x1082  }
0x22: {  	[simem:s7], [sflag:s8] =	dma.local @!p0 [hbm:s6], $0xF7A  }
0x23: {  	s9 =	sor.u32 $0xD0000000, s2;
	s6 =	simm.s32 $0x108;
	_ =	swait.ge @!p0 [sflag:s8], $0x0  }
0x24: {  	s3 =	sadd.s32 $0x88, s3;
	s6 =	simm.s32 @!p1 $0x1082;
	[sflag:s4] =	ssyncset.s32 $0xFFFFF086  }
0x25: {  	[simem:s6], [sflag:s4] =	dma.local [hbm:s3], $0xF7A  }
0x26: {  	[smem:$0x3F9D] =	sst s1;
	(tag) =	ssettag s2;
	_ =	strace s9  }
0x27: {  	s1 =	sld [smem:$0x3FAD]  }
0x28: {  	s2 =	sld [smem:$0x3FAE]  }
0x29: {  	s4 =	sld [smem:$0x3FB0]  }
0x2a: {  	p0 =	seq.s32 s5, $0x0;
	s5 =	sld [smem:$0x3FB1]  }
0x2b: {  	s6 =	sld [smem:$0x3FB2]  }
0x2c: {  	s7 =	sld [smem:$0x3FB3]  }
0x2d: {  	s3 =	simm.s32 $0x108;
	s8 =	sld [smem:$0x3FB4]  }
0x2e: {  	s3 =	simm.s32 @!p0 $0x1082;
	s9 =	sld [smem:$0x3FB5]  }
0x2f: {  	lr =	sadd.s32 s0, s3;
	s0 =	sld [smem:$0x3FAC]  }
0x30: {  	s3 =	sld [smem:$0x3FAF]  }
0x31: {  	[smem:$0x3FB8] =	sst s10  }
0x32: {  	s10 =	sld [smem:$0x3FB6];
	_ =	sdelay $0x3  }
0x33: {  	p0 =	seq.s32 s10, $0x1;
	s10 =	sld [smem:$0x3FB8];
	_ =	sdelay $0x3  }
0x34: {  	[smem:$0x3FB8] =	sst s10  }
0x35: {  	s10 =	sld [smem:$0x3FB7];
	_ =	sdelay $0x3  }
0x36: {  	p1 =	seq.s32 s10, $0x1;
	s10 =	sld [smem:$0x3FB8];
	_ =	sdelay $0x3  }
0x37: {  	[smem:$0x3FB8] =	sst s10  }
0x38: {  	s10 =	sld [smem:$0x3FB9]  }
0x39: {  	_ = 	snop;
	(pc) =	sbr.ind lr, $3  }
0x3a: {  	_ = 	snop  }
0x3b: {  	_ = 	snop  }
0x3c: {  	p2 =	seq.s32 s10, $0x1;
	s10 =	sld [smem:$0x3FB8]  }
0x3d: {  	_ =	shalt  }
0x3e: {  	_ =	shalt  }
0x3f: {  	_ =	shalt  }
0x40: {  	_ =	shalt  }
0x41: {  	_ =	shalt  }
0x42: {  	_ =	shalt  }
0x43: {  	_ =	shalt  }
0x44: {  	_ =	shalt  }
0x45: {  	_ =	shalt  }
0x46: {  	_ =	shalt  }
0x47: {  	_ =	shalt  }
0x48: {  	_ =	shalt  }
0x49: {  	_ =	shalt  }
0x4a: {  	_ =	shalt  }
0x4b: {  	_ =	shalt  }
0x4c: {  	_ =	shalt  }
0x4d: {  	_ =	shalt  }
0x4e: {  	_ =	shalt  }
0x4f: {  	_ =	shalt  }
0x50: {  	_ =	shalt  }
0x51: {  	_ =	shalt  }
0x52: {  	_ =	shalt  }
0x53: {  	_ =	shalt  }
0x54: {  	_ =	shalt  }
0x55: {  	_ =	shalt  }
0x56: {  	_ =	shalt  }
0x57: {  	_ =	shalt  }
0x58: {  	_ =	shalt  }
0x59: {  	_ =	shalt  }
0x5a: {  	_ =	shalt  }
0x5b: {  	_ =	shalt  }
0x5c: {  	_ =	shalt  }
0x5d: {  	_ =	shalt  }
0x5e: {  	_ =	shalt  }
0x5f: {  	_ =	shalt  }
0x60: {  	_ =	shalt  }
0x61: {  	_ =	shalt  }
0x62: {  	_ =	shalt  }
0x63: {  	_ =	shalt  }
0x64: {  	_ =	shalt  }
0x65: {  	_ =	shalt  }
0x66: {  	_ =	shalt  }
0x67: {  	_ =	shalt  }
0x68: {  	_ =	shalt  }
0x69: {  	_ =	shalt  }
0x6a: {  	_ =	shalt  }
0x6b: {  	_ =	shalt  }
0x6c: {  	_ =	shalt  }
0x6d: {  	_ =	shalt  }
0x6e: {  	_ =	shalt  }
0x6f: {  	_ =	shalt  }
0x70: {  	_ =	shalt  }
0x71: {  	_ =	shalt  }
0x72: {  	_ =	shalt  }
0x73: {  	_ =	shalt  }
0x74: {  	_ =	shalt  }
0x75: {  	_ =	shalt  }
0x76: {  	_ =	shalt  }
0x77: {  	_ =	shalt  }
0x78: {  	_ =	shalt  }
0x79: {  	_ =	shalt  }
0x7a: {  	_ =	shalt  }
0x7b: {  	_ =	shalt  }
0x7c: {  	_ =	shalt  }
0x7d: {  	_ =	shalt  }
0x7e: {  	_ =	shalt  }
0x7f: {  	_ =	shalt  }
0x80: {  	_ =	shalt  }
0x81: {  	_ =	shalt  }
0x82: {  	_ =	shalt  }
0x83: {  	_ =	shalt  }
0x84: {  	_ =	shalt  }
0x85: {  	_ =	shalt  }
0x86: {  	_ =	shalt  }
0x87: {  	_ =	shalt  }
.Lfunc_end0:
.L_simem_size_0:
called_computation.1_lowered:
.L_overlay_start_0:
0x88: {  	s2 =	sld [smem:$0x3FD9]  }
0x89: {  	s3 =	sld [smem:$0x3FFE];
	_ =	sdelay $0x1  }
0x8a: {  	s1 =	srdreg.scid  }
0x8b: {  	s0 =	sand.u32 $0x1, s1  }
0x8c: {  	s17 =	sshll.u32 s0, $0xA;
	s2 =	sadd.s32 s3, s2  }
0x8d: {  	s2 =	sadd.s32 s2, s17  }
0x8e: {  	[smem:$0x3FC4] =	sst s2  }
0x8f: {  	_ = 	snop  }
0x90: {  	s2 =	sld [smem:$0x3FD0];
	(tm) =	ssettm $0x1  }
0x91: {  	s18 =	sld [smem:$0x3FFB];
	_ =	sdelay $0x3  }
0x92: {  	_ =	strace s18  }
0x93: {  	s3 =	sld [smem:$0x3FFC];
	_ =	sdelay $0x3  }
0x94: {  	_ =	strace s3  }
0x95: {  	s3 =	sld [smem:$0x3FFD];
	_ =	sdelay $0x3  }
0x96: {  	_ =	strace s3  }
0x97: {  	_ =	strace $0x8FFFFFFF  }
0x98: {  	s19 =	sld [smem:$0x3FDB];
	_ =	sdelay $0x1  }
0x99: {  	s4 =	simm.s32 $_scs_section_size  }
0x9a: {  	s5 =	simm.s32 $_size__tile_overlayer_lowered;
	s6 =	simm.s32 $_tile_overlayer_lowered  }
0x9b: {  	s22 =	simm.s32 $0x1BFF;
	s21 =	sshll.u32 s6, $0x1;
	s3 =	sadd.s32 s4, s19  }
0x9c: {  	s7 =	simm.s32 $0x0;
	s20 =	sshll.u32 s5, $0x1;
	s5 =	sadd.s32 s21, s3  }
0x9d: {  	[timem:s7], [sflag:s22] =	dma.local [hbm:s5], s20  }
0x9e: {  	_ =	swait.ge [sflag:s22], s20  }
0x9f: {  	s4 =	ssub.s32 $0x0, s20;
	[sflag:s22] =	ssyncset.done $0x0  }
0xa0: {  	[sflag:s22] =	ssyncadd.s32 s4;
	_ =	sdelay $0x1  }
0xa1: {  	s23 =	simm.s32 $0x1B8B  }
0xa2: {  	_ =	swait.ge [sflag:s23], $0x1  }
0xa3: {  	[sflag:s23] =	ssyncset.done $0x0  }
0xa4: {  	s25 =	simm.s32 $0x1B8E;
	s24 =	sld [smem:$0x3FFE];
	[sflag:s23] =	ssyncadd.s32 $0xFFFFFFFF  }
0xa5: {  	s26 =	simm.s32 $execute0_lowered;
	[smem:$0x3FD2] =	sst s25  }
0xa6: {  	s5 =	sshll.u32 s26, $0x1;
	_ =	strace $0x80000049;
	[dreg:$0x1] =	wrdreg $0xFFFFFFFF  }
0xa7: {  	s28 =	simm.s32 $_size_execute0_lowered;
	s3 =	sadd.s32 s3, s5;
	[dreg:$0x0] =	wrdreg $0x0  }
0xa8: {  	s5 =	sshll.u32 s28, $0x1;
	[dreg:$0x2] =	wrdreg s3  }
0xa9: {  	[dreg:$0x3] =	wrdreg s5  }
0xaa: {  	[dreg:$0x4] =	wrdreg $0xC0  }
0xab: {  	_ =	task [dreg:s7], $0x5FFFF  }
0xac: {  	[dreg:$0x1] =	wrdreg $0xFFFFFFFF  }
0xad: {  	[dreg:$0x0] =	wrdreg $0x60  }
0xae: {  	[dreg:$0x2] =	wrdreg s24  }
0xaf: {  	[dreg:$0x3] =	wrdreg s2  }
0xb0: {  	[dreg:$0x4] =	wrdreg $0xA9000  }
0xb1: {  	[dreg:$0x5] =	wrdreg $0x9  }
0xb2: {  	_ =	task.clear_ibuf [dreg:s7], $0x6FFFF;
	_ =	strace $0x90000049  }
0xb3: {  	s29 =	simm.s32 $0x9;
	_ =	strace $0x8000004B  }
0xb4: {  	_ =	swait.ge [sflag:s29], $0x1  }
0xb5: {  	[sflag:s29] =	ssyncadd.s32 $0xFFFFFFFF  }
0xb6: {  	_ =	strace $0x9000004B  }
0xb7: {  	_ =	sfence  }
0xb8: {  	s30 =	sld [smem:$0x0];
	_ =	sdelay $0x2  }
0xb9: {  	s31 =	sshll.u32 s1, $0xD;
	s1 =	sshrl.u32 s1, $0x2  }
0xba: {  	s3 =	sand.u32 $0x4000, s31;
	s1 =	sadd.s32 s1, s30  }
0xbb: {  	s0 =	sor.u32 s3, s0;
	s1 =	sshll.u32 s1, $0x11  }
0xbc: {  	s0 =	sor.u32 s1, s0  }
0xbd: {  	s0 =	sadd.s32 $0x8F2B, s0  }
0xbe: {  	[sflag:s0] =	ssyncadd.remote.s32 $0x1  }
0xbf: {  	_ =	sfence.sel $0xFFFF  }
0xc0: {  	[dreg:$0x0] =	wrdreg $0xFFFFFFFF;
	(pc) =	sbr.abs _section_cstart, $3  }
0xc1: {  	[dreg:$0x1] =	wrdreg $0xFFFFFFFF  }
0xc2: {  	_ =	task.clear_ibuf [dreg:s7], $0x2FFFF;
	_ =	strace $0x9FFFFFFF  }
0xc3: {  	(tm) =	ssettm $0x7FFFFFFF  }
tec
execute0_lowered:
.L_overlay_start_1:
0x0: {  	(tag) =	ssettag $0x1  }
0x1: {  	s7 =	rddreg [dreg:$0x0]  }
0x2: {  	s0 =	srdreg.scid;
	s2 =	rddreg [dreg:$0x1]  }
0x3: {  	s28 =	stileid.u32;
	s3 =	rddreg [dreg:$0x2];
	s4 =	simm.s32 $0x0  }
0x4: {  	s17 =	simm.s32 $0x80;
	s18 =	simm.s32 $0x2900;
	s19 =	simm.s32 $0x3  }
0x5: {  	s20 =	simm.s32 $0x2880;
	s21 =	simm.s32 $0x6900;
	s22 =	simm.s32 $0x4  }
0x6: {  	s23 =	simm.s32 $0x1;
	s24 =	simm.s32 $0x2;
	s25 =	simm.s32 $0x0  }
0x7: {  	s8 =	sand.u32 $0x1, s0;
	[smem:$0x7FF] =	sst s4;
	s9 =	smul.u32 $0x13C00, s28  }
0x8: {  	s6 =	sadd.s32 $0xBC00, s7;
	s29 =	smul.u32 $0x4F000, s28;
	s31 =	sshll.u32 s28, $0x6  }
0x9: {  	s1 =	sshll.u32 s8, $0x4;
	_ =	strace $0x8000004A;
	s11 =	smul.u32 $0x13C000, s8  }
0xa: {  	s8 =	ssub.s32 $0x2, s8;
	s5 =	sor.u32 s28, s1;
	s13 =	sshrl.u32 s9, $0x3  }
0xb: {  	s14 =	sshrl.u32 s8, $0x1;
	s30 =	sshrl.u32 s29, $0x2;
	s5 =	smul.u32 $0x2800, s5  }
0xc: {  	s9 =	sadd.s32 s9, s11;
	s13 =	sadd.s32 s13, s7;
	s14 =	ssub.s32 s8, s14  }
0xd: {  	s16 =	sadd.s32 s30, s3;
	s9 =	sshrl.u32 s9, $0x3;
	s10 =	sshrl.u32 s5, $0x3  }
0xe: {  	s15 =	sadd.s32 s9, s7;
	s9 =	sadd.s32 $0x15C00, s13;
	s13 =	simm.s32 $0x5  }
0xf: {  	s12 =	sadd.s32 s10, s7;
	s8 =	sadd.s32 s6, s10;
	s11 =	sadd.s32 $0x3D400, s15  }
0x10: {  	s15 =	sshrl.u32 s16, $0x3;
	s16 =	simm.s32 $0x2800;
	s7 =	sadd.s32 $0x1C00, s12  }
0x11: {  	s10 =	sadd.s32 $0x10, s8;
	s12 =	smax.u32 s14, $0x1;
	s14 =	sor.u32 $0x1C05, s31  }
.LBB2_1:
0x12: {  	[tilespmem:s4], [sflag:$0x5] =	stream.linear.gather [hbm4b:s7+s4], $0x2800, $0x38;
	[tilespmem:$0x1E500] =	vst v63  }
0x13: {  	_ =	swait.ge [sflag:s13], $0x2800  }
0x14: {  	[sflag:s13] =	ssyncset.done $0x0  }
0x15: {  	[sflag:s13] =	ssyncadd.s32 $0xFFFFD800  }
0x16: {  	[spmem:s15], [sflag:s14] =	dma.local [hbm:s9], $0x2780  }
0x17: {  	_ =	swait.ge [sflag:s13], $0x2780  }
0x18: {  	[sflag:s13] =	ssyncset.done $0x0  }
0x19: {  	[sflag:s13] =	ssyncadd.s32 $0xFFFFD880  }
0x1a: {  	[bflag:$0x0] =	sbarrier.arrive $0xFFFF  }
0x1b: {  	[tilespmem:s16], [sflag:$0x3] =	stream.linear.gather [hbm4b:s8+s4], $0x80, $0x38;
	[tilespmem:$0x1E500] =	vst v63  }
0x1c: {  	_ = 	snop  }
0x1d: {  	[tilespmem:s18], [sflag:$0x5] =	stream.indirect.gather [hbm4b:s2+s17], $0x80, s4, s17, $0xb8;
	[tilespmem:$0x1E500] =	vst v63  }
0x1e: {  	_ =	swait.ge [sflag:s13], $0x4000  }
0x1f: {  	[sflag:s13] =	ssyncset.done $0x0  }
0x20: {  	[sflag:s13] =	ssyncadd.s32 $0xFFFFC000  }
0x21: {  	_ =	swait.ge [sflag:s19], $0x80  }
0x22: {  	[sflag:s19] =	ssyncset.done $0x0  }
0x23: {  	[sflag:s19] =	ssyncadd.s32 $0xFFFFFF80  }
0x24: {  	[spmem:s3] =	stream.indirect.scatter.add.f32 [tilespmem:s18], [sflag:$0x1], $0x80, s16, s17, $0xb8;
	[tilespmem:$0x1E500] =	vst v63  }
0x25: {  	_ = 	snop  }
0x26: {  	[tilespmem:s20], [sflag:$0x4] =	stream.linear.gather [hbm4b:s10+s4], $0x80, $0x38;
	[tilespmem:$0x1E500] =	vst v63  }
0x27: {  	_ = 	snop  }
0x28: {  	[tilespmem:s21], [sflag:$0x5] =	stream.indirect.gather [hbm4b:s2+s17], $0x80, s17, s17, $0xb8;
	[tilespmem:$0x1E500] =	vst v63  }
0x29: {  	_ =	swait.ge [sflag:s13], $0x4000  }
0x2a: {  	[sflag:s13] =	ssyncset.done $0x0  }
0x2b: {  	[sflag:s13] =	ssyncadd.s32 $0xFFFFC000  }
0x2c: {  	s26 =	simm.s32 $0x100;
	_ =	swait.ge [sflag:s22], $0x80  }
0x2d: {  	s28 =	sand.u32 $0x7C00, s26;
	[sflag:s22] =	ssyncset.done $0x0  }
0x2e: {  	s26 =	sand.u32 $0x300, s26;
	s28 =	sadd.s32 s5, s28;
	[sflag:s22] =	ssyncadd.s32 $0xFFFFFF80  }
0x2f: {  	[spmem:s3] =	stream.indirect.scatter.add.f32 [tilespmem:s21], [sflag:$0x2], $0x80, s20, s17, $0xb8;
	[tilespmem:$0x1E500] =	vst v63  }
0x30: {  	s26 =	sor.u32 s26, s28;
	_ =	swait.ge [sflag:s23], $0x4000  }
0x31: {  	s26 =	sshrl.u32 s26, $0x3;
	[sflag:s23] =	ssyncset.done $0x0  }
0x32: {  	s26 =	sadd.s32 s6, s26;
	[sflag:s23] =	ssyncadd.s32 $0xFFFFC000  }
0x33: {  	[tilespmem:s16], [sflag:$0x3] =	stream.linear.gather [hbm4b:s26+s4], $0x80, $0x38;
	[tilespmem:$0x1E500] =	vst v63  }
0x34: {  	s0 =	simm.s32 $0x100  }
0x35: {  	[tilespmem:s18], [sflag:$0x5] =	stream.indirect.gather [hbm4b:s2+s17], $0x80, s0, s17, $0xb8;
	[tilespmem:$0x1E500] =	vst v63  }
0x36: {  	_ =	swait.ge [sflag:s13], $0x4000  }
0x37: {  	[sflag:s13] =	ssyncset.done $0x0  }
0x38: {  	[sflag:s13] =	ssyncadd.s32 $0xFFFFC000  }
0x39: {  	s1 =	simm.s32 $0x180;
	_ =	swait.ge [sflag:s19], $0x80  }
0x3a: {  	s28 =	sand.u32 $0x7C00, s1;
	[sflag:s19] =	ssyncset.done $0x0  }
0x3b: {  	s28 =	sadd.s32 s5, s28;
	s26 =	sand.u32 $0x380, s1;
	[sflag:s19] =	ssyncadd.s32 $0xFFFFFF80  }
0x3c: {  	[spmem:s3] =	stream.indirect.scatter.add.f32 [tilespmem:s18], [sflag:$0x1], $0x80, s16, s17, $0xb8;
	[tilespmem:$0x1E500] =	vst v63  }
0x3d: {  	s26 =	sor.u32 s26, s28;
	_ =	swait.ge [sflag:s24], $0x4000  }
0x3e: {  	s26 =	sshrl.u32 s26, $0x3;
	[sflag:s24] =	ssyncset.done $0x0  }
0x3f: {  	s26 =	sadd.s32 s6, s26;
	[sflag:s24] =	ssyncadd.s32 $0xFFFFC000  }
0x40: {  	[tilespmem:s20], [sflag:$0x4] =	stream.linear.gather [hbm4b:s26+s4], $0x80, $0x38;
	[tilespmem:$0x1E500] =	vst v63  }
0x41: {  	s29 =	simm.s32 $0x180  }
0x42: {  	[tilespmem:s21], [sflag:$0x5] =	stream.indirect.gather [hbm4b:s2+s17], $0x80, s29, s17, $0xb8;
	[tilespmem:$0x1E500] =	vst v63  }
0x43: {  	s31 =	simm.s32 $0x380;
	s30 =	simm.s32 $0x200;
	_ =	swait.ge [sflag:s13], $0x4000  }
0x44: {  	s28 =	simm.s32 $0x280;
	s26 =	simm.s32 $0x200;
	[sflag:s13] =	ssyncset.done $0x0  }
.LBB2_2:
0x45: {  	s1 =	sand.u32 $0x7C00, s30  }
0x46: {  	[sflag:s13] =	ssyncadd.s32 $0xFFFFC000;
	s0 =	smov.u32 s31;
	s29 =	sadd.s32 $0x100, s31  }
0x47: {  	s30 =	sand.u32 $0x300, s30;
	s1 =	sadd.s32 s5, s1;
	_ =	swait.ge [sflag:s22], $0x80  }
0x48: {  	p0 =	sne.s32 s31, $0x2780;
	s1 =	sor.u32 s30, s1;
	[sflag:s22] =	ssyncset.done $0x0  }
0x49: {  	s1 =	sshrl.u32 s1, $0x3;
	[sflag:s22] =	ssyncadd.s32 $0xFFFFFF80  }
0x4a: {  	[spmem:s3] =	stream.indirect.scatter.add.f32 [tilespmem:s21], [sflag:$0x2], $0x80, s20, s17, $0xb8;
	[tilespmem:$0x1E500] =	vst v63  }
0x4b: {  	_ =	swait.ge [sflag:s23], $0x4000  }
0x4c: {  	[sflag:s23] =	ssyncset.done $0x0  }
0x4d: {  	s1 =	sadd.s32 s6, s1;
	[sflag:s23] =	ssyncadd.s32 $0xFFFFC000  }
0x4e: {  	[tilespmem:s16], [sflag:$0x3] =	stream.linear.gather [hbm4b:s1+s4], $0x80, $0x38;
	[tilespmem:$0x1E500] =	vst v63  }
0x4f: {  	_ = 	snop  }
0x50: {  	[tilespmem:s18], [sflag:$0x5] =	stream.indirect.gather [hbm4b:s2+s17], $0x80, s26, s17, $0xb8;
	[tilespmem:$0x1E500] =	vst v63  }
0x51: {  	_ =	swait.ge [sflag:s13], $0x4000  }
0x52: {  	[sflag:s13] =	ssyncset.done $0x0  }
0x53: {  	[sflag:s13] =	ssyncadd.s32 $0xFFFFC000  }
0x54: {  	_ =	swait.ge [sflag:s19], $0x80  }
0x55: {  	[sflag:s19] =	ssyncset.done $0x0  }
0x56: {  	s1 =	sand.u32 $0x7C00, s28;
	[sflag:s19] =	ssyncadd.s32 $0xFFFFFF80  }
0x57: {  	[spmem:s3] =	stream.indirect.scatter.add.f32 [tilespmem:s18], [sflag:$0x1], $0x80, s16, s17, $0xb8;
	[tilespmem:$0x1E500] =	vst v63  }
0x58: {  	s30 =	sand.u32 $0x380, s28;
	s28 =	smov.u32 s0;
	s1 =	sadd.s32 s5, s1  }
0x59: {  	s0 =	sor.u32 s30, s1;
	_ =	swait.ge [sflag:s24], $0x4000  }
0x5a: {  	s0 =	sshrl.u32 s0, $0x3;
	[sflag:s24] =	ssyncset.done $0x0  }
0x5b: {  	s0 =	sadd.s32 s6, s0;
	[sflag:s24] =	ssyncadd.s32 $0xFFFFC000  }
0x5c: {  	[tilespmem:s20], [sflag:$0x4] =	stream.linear.gather [hbm4b:s0+s4], $0x80, $0x38;
	[tilespmem:$0x1E500] =	vst v63  }
.Ltmp0:
0x5d: {  	_ = 	snop;
	(pc) =	sbr.rel @p0 .LBB2_2-.Ltmp0, $4  }
0x5e: {  	s0 =	sadd.s32 $0x80, s26  }
0x5f: {  	[tilespmem:s21], [sflag:$0x5] =	stream.indirect.gather [hbm4b:s2+s17], $0x80, s0, s17, $0xb8;
	[tilespmem:$0x1E500] =	vst v63  }
0x60: {  	s31 =	smov.u32 s29;
	_ =	swait.ge [sflag:s13], $0x4000  }
0x61: {  	s30 =	sadd.s32 $0xFFFFFF80, s28;
	s26 =	sadd.s32 $0x100, s26;
	[sflag:s13] =	ssyncset.done $0x0  }
0x62: {  	[sflag:s13] =	ssyncadd.s32 $0xFFFFC000  }
0x63: {  	_ =	swait.ge [sflag:s22], $0x80  }
0x64: {  	s0 =	sand.u32 $0x7C00, s30;
	[sflag:s22] =	ssyncset.done $0x0  }
0x65: {  	s1 =	sand.u32 $0x300, s30;
	s0 =	sadd.s32 s5, s0;
	[sflag:s22] =	ssyncadd.s32 $0xFFFFFF80  }
0x66: {  	[spmem:s3] =	stream.indirect.scatter.add.f32 [tilespmem:s21], [sflag:$0x2], $0x80, s20, s17, $0xb8;
	[tilespmem:$0x1E500] =	vst v63  }
0x67: {  	s0 =	sor.u32 s1, s0;
	_ =	swait.ge [sflag:s23], $0x4000  }
0x68: {  	s0 =	sshrl.u32 s0, $0x3;
	[sflag:s23] =	ssyncset.done $0x0  }
0x69: {  	s0 =	sadd.s32 s6, s0;
	[sflag:s23] =	ssyncadd.s32 $0xFFFFC000  }
0x6a: {  	[tilespmem:s16], [sflag:$0x3] =	stream.linear.gather [hbm4b:s0+s4], $0x80, $0x38;
	[tilespmem:$0x1E500] =	vst v63  }
0x6b: {  	_ = 	snop  }
0x6c: {  	[tilespmem:s18], [sflag:$0x5] =	stream.indirect.gather [hbm4b:s2+s17], $0x80, s26, s17, $0xb8;
	[tilespmem:$0x1E500] =	vst v63  }
0x6d: {  	_ =	swait.ge [sflag:s13], $0x4000  }
0x6e: {  	[sflag:s13] =	ssyncset.done $0x0  }
0x6f: {  	[sflag:s13] =	ssyncadd.s32 $0xFFFFC000  }
0x70: {  	_ =	swait.ge [sflag:s19], $0x80  }
0x71: {  	s29 =	sand.u32 $0x7C00, s28;
	[sflag:s19] =	ssyncset.done $0x0  }
0x72: {  	s30 =	sand.u32 $0x380, s28;
	s0 =	sadd.s32 s5, s29;
	[sflag:s19] =	ssyncadd.s32 $0xFFFFFF80  }
0x73: {  	[spmem:s3] =	stream.indirect.scatter.add.f32 [tilespmem:s18], [sflag:$0x1], $0x80, s16, s17, $0xb8;
	[tilespmem:$0x1E500] =	vst v63  }
0x74: {  	s0 =	sor.u32 s30, s0;
	_ =	swait.ge [sflag:s24], $0x4000  }
0x75: {  	s0 =	sshrl.u32 s0, $0x3;
	[sflag:s24] =	ssyncset.done $0x0  }
0x76: {  	s0 =	sadd.s32 s6, s0;
	[sflag:s24] =	ssyncadd.s32 $0xFFFFC000  }
0x77: {  	[tilespmem:s20], [sflag:$0x4] =	stream.linear.gather [hbm4b:s0+s4], $0x80, $0x38;
	[tilespmem:$0x1E500] =	vst v63  }
0x78: {  	s31 =	sadd.s32 $0x80, s26  }
0x79: {  	[tilespmem:s21], [sflag:$0x5] =	stream.indirect.gather [hbm4b:s2+s17], $0x80, s31, s17, $0xb8;
	[tilespmem:$0x1E500] =	vst v63  }
0x7a: {  	_ =	swait.ge [sflag:s13], $0x4000  }
0x7b: {  	[sflag:s13] =	ssyncset.done $0x0  }
0x7c: {  	[sflag:s13] =	ssyncadd.s32 $0xFFFFC000  }
0x7d: {  	_ =	swait.ge [sflag:s22], $0x80  }
0x7e: {  	[sflag:s22] =	ssyncset.done $0x0  }
0x7f: {  	[sflag:s22] =	ssyncadd.s32 $0xFFFFFF80  }
0x80: {  	[spmem:s3] =	stream.indirect.scatter.add.f32 [tilespmem:s21], [sflag:$0x2], $0x80, s20, s17, $0xb8;
	[tilespmem:$0x1E500] =	vst v63  }
0x81: {  	_ =	swait.ge [sflag:s23], $0x4000  }
0x82: {  	[sflag:s23] =	ssyncset.done $0x0  }
0x83: {  	[sflag:s23] =	ssyncadd.s32 $0xFFFFC000  }
0x84: {  	_ =	swait.ge [sflag:s24], $0x4000  }
0x85: {  	s25 =	sadd.s32 $0x1, s25;
	[sflag:s24] =	ssyncset.done $0x0  }
0x86: {  	p0 =	sne.s32 s25, s12;
	[sflag:s24] =	ssyncadd.s32 $0xFFFFC000  }
.Ltmp1:
0x87: {  	[bflag:$0x0] =	sbarrier.arrive $0xFFFF;
	(pc) =	sbr.rel @p0 .LBB2_1-.Ltmp1, $4  }
0x88: {  	[hbm:s11], [sflag:s14] =	dma.local [spmem:s15], $0x2780  }
0x89: {  	_ =	swait.ge [sflag:s13], $0x2780  }
0x8a: {  	[sflag:s13] =	ssyncset.done $0x0  }
0x8b: {  	[sflag:s13] =	ssyncadd.s32 $0xFFFFD880  }
0x8c: {  	_ =	sfence.sel $0x180000  }
0x8d: {  	[bflag:$0x0] =	sbarrier.arrive $0xFFFF  }
0x8e: {  	_ =	strace $0x9000004A  }
0x8f: {  	s0 =	stileid.u32;
	[bflag:$0x2] =	sbarrier.arrive $0xFFFF  }
0x90: {  	p0 =	sne.s32 s0, $0x0;
	s0 =	rddreg [dreg:$0x3]  }
0x91: {  	s0 =	sadd.s32 @!p0 $0x100000, s0  }
0x92: {  	[sflag:s0] =	ssyncadd.tile.s32 @!p0 $0x1;
	_ =	shalt  }
.Lfunc_end2:
_tile_overlayer_lowered:
.L_overlay_start_2:
0x93: {  	(tag) =	ssettag $0x2  }
0x94: {  	s0 =	rddreg [dreg:$0x0];
	s2 =	stileid.u32  }
0x95: {  	s1 =	rddreg [dreg:$0x1];
	p0 =	sne.s32 s2, $0x0  }
0x96: {  	s3 =	rddreg [dreg:$0x2];
	[bflag:$0x3] =	sbarrier.arrive $0xFFFF;
	s2 =	simm.s32 @!p0 $0x1C05  }
0x97: {  	[timem:s3], [sflag:s2] =	dma.local @!p0 [hbm:s0], s1  }
0x98: {  	s0 =	simm.s32 @!p0 $0x5  }
0x99: {  	_ =	swait.ge @!p0 [sflag:s0], s1  }
0x9a: {  	s1 =	ssub.s32 @!p0 $0x0, s1;
	[sflag:s0] =	ssyncset.done @!p0 $0x0  }
0x9b: {  	[sflag:s0] =	ssyncadd.s32 @!p0 s1  }
0x9c: {  	[bflag:$0x3] =	sbarrier.arrive $0xFFFF  }
0x9d: {  	_ =	shalt  }

</sc_bundles>
